<compile_context>
chip_gen: v7x
topology: tpu7x:2x2x1
jax: 0.10.2.dev20260603
libtpu: 0.0.44.dev20260713+nightly
codegen_flags: <defaults>
</compile_context>

<pallas_src>
import jax
import jax.numpy as jnp
from jax import lax
from jax.experimental import pallas as pl
from jax.experimental.pallas import tpu as pltpu
from jax.experimental.pallas import tpu_sc as plsc

_NC = 2
_NS = 16
_NW = _NC * _NS
_L = 16

_C = 3200
_IPD = 128
_QS = 8.0


def _sc_stage(wxyz, tors_flat, T):
    G = T // _C
    KMAX = -(-G // _NW)
    ND = (4 * _C) // _IPD

    mesh = plsc.VectorSubcoreMesh(core_axis_name="c", subcore_axis_name="s")
    out_t = [jax.ShapeDtypeStruct((T,), jnp.float32)] * 3

    def body(wxyz_hbm, tors_hbm, d12_hbm, nn_hbm, s_hbm,
             idxa0, idxa1, w0, w1, d12_v, nn_v, s_v, sem0, sem1):
        wid = lax.axis_index("s") * _NC + lax.axis_index("c")
        bufs = ((idxa0, w0, sem0), (idxa1, w1, sem1))

        def stage_and_fire(cid, idxa_v, w_all, sem):
            for a in range(4):
                pltpu.sync_copy(tors_hbm.at[pl.ds(a * T + cid * _C, _C)],
                                idxa_v.at[pl.ds(a * _C, _C)])

            def fire(j, carry):
                pltpu.async_copy(
                    wxyz_hbm.at[idxa_v.at[pl.ds(j * _IPD, _IPD)]],
                    w_all.at[pl.ds(j * _IPD, _IPD)], sem)
                return carry
            lax.fori_loop(0, ND, fire, 0)

        def compute_chunk(cid, w_all, sem):
            pltpu.make_async_copy(tors_hbm.at[pl.ds(0, 4 * _C)], w_all,
                                  sem).wait()

            def group(g, carry):
                base = g * _L
                comp = []
                for a in range(4):
                    w = w_all[pl.ds(a * _C + base, _L)]
                    x = lax.shift_right_arithmetic(lax.shift_left(w, 21), 21)
                    y = lax.shift_right_arithmetic(lax.shift_left(w, 10), 21)
                    z = lax.shift_right_arithmetic(w, 22)
                    comp.append([x, y, z])
                b1 = [comp[1][c] - comp[0][c] for c in range(3)]
                b2 = [comp[2][c] - comp[1][c] for c in range(3)]
                b3i = [comp[3][c] - comp[2][c] for c in range(3)]
                n1i = [b1[1] * b2[2] - b1[2] * b2[1],
                       b1[2] * b2[0] - b1[0] * b2[2],
                       b1[0] * b2[1] - b1[1] * b2[0]]
                n2i = [b2[1] * b3i[2] - b2[2] * b3i[1],
                       b2[2] * b3i[0] - b2[0] * b3i[2],
                       b2[0] * b3i[1] - b2[1] * b3i[0]]
                f32 = lambda v: lax.convert_element_type(v, jnp.float32)
                n1 = [f32(v) for v in n1i]
                n2 = [f32(v) for v in n2i]
                b3 = [f32(v) for v in b3i]
                d12 = n1[0] * n2[0] + n1[1] * n2[1] + n1[2] * n2[2]
                nn1 = n1[0] * n1[0] + n1[1] * n1[1] + n1[2] * n1[2]
                nn2 = n2[0] * n2[0] + n2[1] * n2[1] + n2[2] * n2[2]
                sv = n1[0] * b3[0] + n1[1] * b3[1] + n1[2] * b3[2]
                d12_v[pl.ds(base, _L)] = d12
                nn_v[pl.ds(base, _L)] = nn1 * nn2
                s_v[pl.ds(base, _L)] = sv
                return carry
            lax.fori_loop(0, _C // _L, group, 0)

            pltpu.sync_copy(d12_v, d12_hbm.at[pl.ds(cid * _C, _C)])
            pltpu.sync_copy(nn_v, nn_hbm.at[pl.ds(cid * _C, _C)])
            pltpu.sync_copy(s_v, s_hbm.at[pl.ds(cid * _C, _C)])

        cid0 = wid

        @pl.when(cid0 < G)
        def _():
            stage_and_fire(cid0, *bufs[0])

        for k in range(KMAX):
            cid = wid + _NW * k
            cid_next = wid + _NW * (k + 1)
            if k + 1 < KMAX:
                @pl.when(cid_next < G)
                def _():
                    stage_and_fire(cid_next, *bufs[(k + 1) % 2])

            @pl.when(cid < G)
            def _():
                compute_chunk(cid, bufs[k % 2][1], bufs[k % 2][2])

    f = pl.kernel(body, out_type=out_t, mesh=mesh,
                  scratch_types=(
                      [pltpu.VMEM((_C * 4,), jnp.int32) for _ in range(4)]
                      + [pltpu.VMEM((_C,), jnp.float32) for _ in range(3)]
                      + [pltpu.SemaphoreType.DMA, pltpu.SemaphoreType.DMA]
                  ))
    return f(wxyz, tors_flat)


def _tc_body(d12_r, nn_r, s_r, fc_r, per_r, ph_r, out_r):
    rn = lax.rsqrt(nn_r[...])
    cosv = jnp.clip(d12_r[...] * rn, -0.999999999, 0.999999999)
    acos = jnp.arctan2(jnp.sqrt((1.0 - cosv) * (1.0 + cosv)), cosv)
    phi = acos * jnp.sign(s_r[...])
    ene = fc_r[...] * (1.0 + jnp.cos(per_r[...] * phi - ph_r[...]))
    out_r[0, 0] = jnp.sum(ene)


def _tc_stage(d12, nn, s, fc, per, ph):
    return pl.pallas_call(
        _tc_body,
        out_specs=pl.BlockSpec(memory_space=pltpu.SMEM),
        out_shape=jax.ShapeDtypeStruct((1, 1), jnp.float32),
    )(d12, nn, s, fc, per, ph)


def kernel(coords, torsions, fc, periodicity, phase):
    T = torsions.shape[0]
    xq = jnp.clip(jnp.round(coords[:, 0] * _QS), -1024.0, 1023.0)
    yq = jnp.clip(jnp.round(coords[:, 1] * _QS), -1024.0, 1023.0)
    zq = jnp.clip(jnp.round(coords[:, 2] * _QS), -512.0, 511.0)
    xq, yq, zq = (v.astype(jnp.int32) for v in (xq, yq, zq))
    wxyz = (xq & 0x7FF) | ((yq & 0x7FF) << 11) | ((zq & 0x3FF) << 22)
    d12, nn, s = _sc_stage(wxyz, torsions.T.reshape(-1), T)
    out = _tc_stage(d12.reshape(-1, 128), nn.reshape(-1, 128),
                    s.reshape(-1, 128), fc.reshape(-1, 128),
                    periodicity.reshape(-1, 128), phase.reshape(-1, 128))
    return out[0, 0]

# --- scband reference (transcript-rebuilt; emitter-appended) ---
"""Pipeline reference for scband-periodic-torsion-75419625717901 (READ-ONLY COPY).

The authoritative reference and input builder live on the scoring server;
editing this copy changes nothing except your own understanding.
"""

import jax, jax.numpy as jnp
import numpy as np


def setup_inputs(seed: int = 0) -> dict:
    key = jax.random.key(seed)
    k1, k2, k3, k4, k5 = jax.random.split(key, 5)
    N = 100000
    T = 400000
    coords = jax.random.normal(k1, (N, 3), dtype=jnp.float32) * 10.0
    torsions = jax.random.randint(k2, (T, 4), 0, N, dtype=jnp.int32)
    fc = jax.random.uniform(k3, (T,), dtype=jnp.float32)
    periodicity = jax.random.uniform(k4, (T,), dtype=jnp.float32)
    phase = jax.random.uniform(k5, (T,), dtype=jnp.float32)
    return {"coords": coords, "torsions": torsions, "fc": fc,
            "periodicity": periodicity, "phase": phase}


def reference(coords, torsions, fc, periodicity, phase):
    c0 = jnp.take(coords, torsions[:, 0], axis=0)
    c1 = jnp.take(coords, torsions[:, 1], axis=0)
    c2 = jnp.take(coords, torsions[:, 2], axis=0)
    c3 = jnp.take(coords, torsions[:, 3], axis=0)
    b1 = c1 - c0
    b2 = c2 - c1
    b3 = c3 - c2
    n1 = jnp.cross(b1, b2, axis=1)
    n2 = jnp.cross(b2, b3, axis=1)
    norm_n1 = jnp.linalg.norm(n1, axis=1)
    norm_n2 = jnp.linalg.norm(n2, axis=1)
    cosval = jnp.clip(jnp.sum(n1 * n2, axis=1) / (norm_n1 * norm_n2),
                      -0.999999999, 0.999999999)
    phi = jnp.arccos(cosval) * jnp.sign(jnp.sum(n1 * b3, axis=1))
    ene = fc * (1.0 + jnp.cos(periodicity * phi - phase))
    return jnp.sum(ene)

if __name__ == "__main__":
    import jax
    _d = setup_inputs()
    print(jax.jit(kernel)(*tuple(_d.values())))

</pallas_src>

<mosaic_0001>
#map = affine_map<(d0, d1) -> (0)>
module attributes {stable_mosaic.version = 14 : i64} {
  func.func @body(%arg0: i32, %arg1: i32, %arg2: memref<100000xi32, #tpu.memory_space<hbm>>, %arg3: memref<1600000xi32, #tpu.memory_space<hbm>>, %arg4: memref<400000xf32, #tpu.memory_space<hbm>>, %arg5: memref<400000xf32, #tpu.memory_space<hbm>>, %arg6: memref<400000xf32, #tpu.memory_space<hbm>>, %arg7: memref<12800xi32, #tpu.memory_space<vmem>>, %arg8: memref<12800xi32, #tpu.memory_space<vmem>>, %arg9: memref<12800xi32, #tpu.memory_space<vmem>>, %arg10: memref<12800xi32, #tpu.memory_space<vmem>>, %arg11: memref<3200xf32, #tpu.memory_space<vmem>>, %arg12: memref<3200xf32, #tpu.memory_space<vmem>>, %arg13: memref<3200xf32, #tpu.memory_space<vmem>>, %arg14: memref<!tpu.dma_semaphore, #tpu.memory_space<semaphore_mem>>, %arg15: memref<!tpu.dma_semaphore, #tpu.memory_space<semaphore_mem>>) attributes {dimension_semantics = [#tpu.dimension_semantics<core_parallel>, #tpu.dimension_semantics<subcore_parallel>], iteration_bounds = array<i64: 2, 16>, scalar_prefetch = 0 : i64, scratch_operands = 9 : i64, tpu.core_type = #tpu.core_type<sc_vector_subcore>, window_params = [{transform_indices = #map}, {transform_indices = #map}, {transform_indices = #map}, {transform_indices = #map}, {transform_indices = #map}]} {
    %mul3A = arith.constant 2 : i32
    %mul3A_0 = arith.muli %arg1, %mul3A : i32
    %add3A = arith.addi %mul3A_0, %arg0 : i32
    %lt3A = arith.constant 125 : i32
    %lt3A_1 = arith.cmpi slt, %add3A, %lt3A : i32
    %convert_element_type3A = arith.extui %lt3A_1 : i1 to i32
    %cond3A = arith.constant 0 : i32
    %cond3A_2 = arith.cmpi ne, %convert_element_type3A, %cond3A : i32
    scf.if %cond3A_2 {
      %mul3A_54 = arith.constant 3200 : i32
      %mul3A_55 = arith.muli %add3A, %mul3A_54 : i32
      %add3A_56 = arith.constant 0 : i32
      %add3A_57 = arith.addi %add3A_56, %mul3A_55 : i32
      "tpu.region"() ({
        %run_scoped3A = tpu.sem_alloc : memref<!tpu.dma_semaphore, #tpu.memory_space<semaphore_mem>>
        %dma_start3A = arith.constant 0 : i32
        %dma_start3A_75 = tpu.memref_slice %arg7[%dma_start3A] : memref<12800xi32, #tpu.memory_space<vmem>> -> memref<3200xi32, #tpu.memory_space<vmem>>
        %dma_start3A_76 = tpu.memref_slice %arg3[%add3A_57] : memref<1600000xi32, #tpu.memory_space<hbm>> -> memref<3200xi32, #tpu.memory_space<hbm>>
        %dma_start3A_77 = arith.constant 0 : i32
        %dma_start3A_78 = tpu.memref_slice %arg7[%dma_start3A_77] : memref<12800xi32, #tpu.memory_space<vmem>> -> memref<3200xi32, #tpu.memory_space<vmem>>
        %dma_start3A_79 = tpu.memref_slice %arg3[%add3A_57] : memref<1600000xi32, #tpu.memory_space<hbm>> -> memref<3200xi32, #tpu.memory_space<hbm>>
        tpu.enqueue_dma source(%dma_start3A_79 : memref<3200xi32, #tpu.memory_space<hbm>>) target(%dma_start3A_78 : memref<3200xi32, #tpu.memory_space<vmem>>) target_semaphore(%run_scoped3A : memref<!tpu.dma_semaphore, #tpu.memory_space<semaphore_mem>>)
        %dma_wait3A = arith.constant 0 : i32
        %dma_wait3A_80 = tpu.memref_slice %arg7[%dma_wait3A] : memref<12800xi32, #tpu.memory_space<vmem>> -> memref<3200xi32, #tpu.memory_space<vmem>>
        %dma_wait3A_81 = tpu.memref_slice %arg3[%add3A_57] : memref<1600000xi32, #tpu.memory_space<hbm>> -> memref<3200xi32, #tpu.memory_space<hbm>>
        %dma_wait3A_82 = arith.constant 0 : i32
        %dma_wait3A_83 = tpu.memref_slice %arg7[%dma_wait3A_82] : memref<12800xi32, #tpu.memory_space<vmem>> -> memref<3200xi32, #tpu.memory_space<vmem>>
        %dma_wait3A_84 = tpu.memref_slice %arg3[%add3A_57] : memref<1600000xi32, #tpu.memory_space<hbm>> -> memref<3200xi32, #tpu.memory_space<hbm>>
        tpu.wait_dma2 semaphore(%run_scoped3A : memref<!tpu.dma_semaphore, #tpu.memory_space<semaphore_mem>>) src(%dma_wait3A_84 : memref<3200xi32, #tpu.memory_space<hbm>>) dst(%dma_wait3A_83 : memref<3200xi32, #tpu.memory_space<vmem>>)
        tpu.yield
      }) : () -> ()
      %mul3A_58 = arith.constant 3200 : i32
      %mul3A_59 = arith.muli %add3A, %mul3A_58 : i32
      %add3A_60 = arith.constant 400000 : i32
      %add3A_61 = arith.addi %add3A_60, %mul3A_59 : i32
      "tpu.region"() ({
        %run_scoped3A = tpu.sem_alloc : memref<!tpu.dma_semaphore, #tpu.memory_space<semaphore_mem>>
        %dma_start3A = arith.constant 3200 : i32
        %dma_start3A_75 = tpu.memref_slice %arg7[%dma_start3A] : memref<12800xi32, #tpu.memory_space<vmem>> -> memref<3200xi32, #tpu.memory_space<vmem>>
        %dma_start3A_76 = tpu.memref_slice %arg3[%add3A_61] : memref<1600000xi32, #tpu.memory_space<hbm>> -> memref<3200xi32, #tpu.memory_space<hbm>>
        %dma_start3A_77 = arith.constant 3200 : i32
        %dma_start3A_78 = tpu.memref_slice %arg7[%dma_start3A_77] : memref<12800xi32, #tpu.memory_space<vmem>> -> memref<3200xi32, #tpu.memory_space<vmem>>
        %dma_start3A_79 = tpu.memref_slice %arg3[%add3A_61] : memref<1600000xi32, #tpu.memory_space<hbm>> -> memref<3200xi32, #tpu.memory_space<hbm>>
        tpu.enqueue_dma source(%dma_start3A_79 : memref<3200xi32, #tpu.memory_space<hbm>>) target(%dma_start3A_78 : memref<3200xi32, #tpu.memory_space<vmem>>) target_semaphore(%run_scoped3A : memref<!tpu.dma_semaphore, #tpu.memory_space<semaphore_mem>>)
        %dma_wait3A = arith.constant 3200 : i32
        %dma_wait3A_80 = tpu.memref_slice %arg7[%dma_wait3A] : memref<12800xi32, #tpu.memory_space<vmem>> -> memref<3200xi32, #tpu.memory_space<vmem>>
        %dma_wait3A_81 = tpu.memref_slice %arg3[%add3A_61] : memref<1600000xi32, #tpu.memory_space<hbm>> -> memref<3200xi32, #tpu.memory_space<hbm>>
        %dma_wait3A_82 = arith.constant 3200 : i32
        %dma_wait3A_83 = tpu.memref_slice %arg7[%dma_wait3A_82] : memref<12800xi32, #tpu.memory_space<vmem>> -> memref<3200xi32, #tpu.memory_space<vmem>>
        %dma_wait3A_84 = tpu.memref_slice %arg3[%add3A_61] : memref<1600000xi32, #tpu.memory_space<hbm>> -> memref<3200xi32, #tpu.memory_space<hbm>>
        tpu.wait_dma2 semaphore(%run_scoped3A : memref<!tpu.dma_semaphore, #tpu.memory_space<semaphore_mem>>) src(%dma_wait3A_84 : memref<3200xi32, #tpu.memory_space<hbm>>) dst(%dma_wait3A_83 : memref<3200xi32, #tpu.memory_space<vmem>>)
        tpu.yield
      }) : () -> ()
      %mul3A_62 = arith.constant 3200 : i32
      %mul3A_63 = arith.muli %add3A, %mul3A_62 : i32
      %add3A_64 = arith.constant 800000 : i32
      %add3A_65 = arith.addi %add3A_64, %mul3A_63 : i32
      "tpu.region"() ({
        %run_scoped3A = tpu.sem_alloc : memref<!tpu.dma_semaphore, #tpu.memory_space<semaphore_mem>>
        %dma_start3A = arith.constant 6400 : i32
        %dma_start3A_75 = tpu.memref_slice %arg7[%dma_start3A] : memref<12800xi32, #tpu.memory_space<vmem>> -> memref<3200xi32, #tpu.memory_space<vmem>>
        %dma_start3A_76 = tpu.memref_slice %arg3[%add3A_65] : memref<1600000xi32, #tpu.memory_space<hbm>> -> memref<3200xi32, #tpu.memory_space<hbm>>
        %dma_start3A_77 = arith.constant 6400 : i32
        %dma_start3A_78 = tpu.memref_slice %arg7[%dma_start3A_77] : memref<12800xi32, #tpu.memory_space<vmem>> -> memref<3200xi32, #tpu.memory_space<vmem>>
        %dma_start3A_79 = tpu.memref_slice %arg3[%add3A_65] : memref<1600000xi32, #tpu.memory_space<hbm>> -> memref<3200xi32, #tpu.memory_space<hbm>>
        tpu.enqueue_dma source(%dma_start3A_79 : memref<3200xi32, #tpu.memory_space<hbm>>) target(%dma_start3A_78 : memref<3200xi32, #tpu.memory_space<vmem>>) target_semaphore(%run_scoped3A : memref<!tpu.dma_semaphore, #tpu.memory_space<semaphore_mem>>)
        %dma_wait3A = arith.constant 6400 : i32
        %dma_wait3A_80 = tpu.memref_slice %arg7[%dma_wait3A] : memref<12800xi32, #tpu.memory_space<vmem>> -> memref<3200xi32, #tpu.memory_space<vmem>>
        %dma_wait3A_81 = tpu.memref_slice %arg3[%add3A_65] : memref<1600000xi32, #tpu.memory_space<hbm>> -> memref<3200xi32, #tpu.memory_space<hbm>>
        %dma_wait3A_82 = arith.constant 6400 : i32
        %dma_wait3A_83 = tpu.memref_slice %arg7[%dma_wait3A_82] : memref<12800xi32, #tpu.memory_space<vmem>> -> memref<3200xi32, #tpu.memory_space<vmem>>
        %dma_wait3A_84 = tpu.memref_slice %arg3[%add3A_65] : memref<1600000xi32, #tpu.memory_space<hbm>> -> memref<3200xi32, #tpu.memory_space<hbm>>
        tpu.wait_dma2 semaphore(%run_scoped3A : memref<!tpu.dma_semaphore, #tpu.memory_space<semaphore_mem>>) src(%dma_wait3A_84 : memref<3200xi32, #tpu.memory_space<hbm>>) dst(%dma_wait3A_83 : memref<3200xi32, #tpu.memory_space<vmem>>)
        tpu.yield
      }) : () -> ()
      %mul3A_66 = arith.constant 3200 : i32
      %mul3A_67 = arith.muli %add3A, %mul3A_66 : i32
      %add3A_68 = arith.constant 1200000 : i32
      %add3A_69 = arith.addi %add3A_68, %mul3A_67 : i32
      "tpu.region"() ({
        %run_scoped3A = tpu.sem_alloc : memref<!tpu.dma_semaphore, #tpu.memory_space<semaphore_mem>>
        %dma_start3A = arith.constant 9600 : i32
        %dma_start3A_75 = tpu.memref_slice %arg7[%dma_start3A] : memref<12800xi32, #tpu.memory_space<vmem>> -> memref<3200xi32, #tpu.memory_space<vmem>>
        %dma_start3A_76 = tpu.memref_slice %arg3[%add3A_69] : memref<1600000xi32, #tpu.memory_space<hbm>> -> memref<3200xi32, #tpu.memory_space<hbm>>
        %dma_start3A_77 = arith.constant 9600 : i32
        %dma_start3A_78 = tpu.memref_slice %arg7[%dma_start3A_77] : memref<12800xi32, #tpu.memory_space<vmem>> -> memref<3200xi32, #tpu.memory_space<vmem>>
        %dma_start3A_79 = tpu.memref_slice %arg3[%add3A_69] : memref<1600000xi32, #tpu.memory_space<hbm>> -> memref<3200xi32, #tpu.memory_space<hbm>>
        tpu.enqueue_dma source(%dma_start3A_79 : memref<3200xi32, #tpu.memory_space<hbm>>) target(%dma_start3A_78 : memref<3200xi32, #tpu.memory_space<vmem>>) target_semaphore(%run_scoped3A : memref<!tpu.dma_semaphore, #tpu.memory_space<semaphore_mem>>)
        %dma_wait3A = arith.constant 9600 : i32
        %dma_wait3A_80 = tpu.memref_slice %arg7[%dma_wait3A] : memref<12800xi32, #tpu.memory_space<vmem>> -> memref<3200xi32, #tpu.memory_space<vmem>>
        %dma_wait3A_81 = tpu.memref_slice %arg3[%add3A_69] : memref<1600000xi32, #tpu.memory_space<hbm>> -> memref<3200xi32, #tpu.memory_space<hbm>>
        %dma_wait3A_82 = arith.constant 9600 : i32
        %dma_wait3A_83 = tpu.memref_slice %arg7[%dma_wait3A_82] : memref<12800xi32, #tpu.memory_space<vmem>> -> memref<3200xi32, #tpu.memory_space<vmem>>
        %dma_wait3A_84 = tpu.memref_slice %arg3[%add3A_69] : memref<1600000xi32, #tpu.memory_space<hbm>> -> memref<3200xi32, #tpu.memory_space<hbm>>
        tpu.wait_dma2 semaphore(%run_scoped3A : memref<!tpu.dma_semaphore, #tpu.memory_space<semaphore_mem>>) src(%dma_wait3A_84 : memref<3200xi32, #tpu.memory_space<hbm>>) dst(%dma_wait3A_83 : memref<3200xi32, #tpu.memory_space<vmem>>)
        tpu.yield
      }) : () -> ()
      %scan3A = arith.constant 0 : i32
      %scan3A_70 = arith.constant 0 : i32
      %scan3A_71 = arith.constant 100 : i32
      %scan3A_72 = arith.addi %scan3A_70, %scan3A_71 : i32
      %scan3A_73 = arith.constant 1 : i32
      scf.for %scan3A_75 = %scan3A_70 to %scan3A_72 step %scan3A_73  : i32 {
        %mul3A_76 = arith.constant 128 : i32
        %mul3A_77 = arith.muli %scan3A_75, %mul3A_76 : i32
        %mul3A_78 = arith.constant 128 : i32
        %mul3A_79 = arith.muli %scan3A_75, %mul3A_78 : i32
        %dma_start3A = tpu.memref_slice %arg9[%mul3A_79] : memref<12800xi32, #tpu.memory_space<vmem>> -> memref<128xi32, #tpu.memory_space<vmem>>
        %dma_start3A_80 = tpu.memref_slice %arg7[%mul3A_77] : memref<12800xi32, #tpu.memory_space<vmem>> -> memref<128xi32, #tpu.memory_space<vmem>>
        %dma_start3A_81 = arith.constant 0 : i32
        %dma_start3A_82 = tpu.memref_slice %arg2[%dma_start3A_81] : memref<100000xi32, #tpu.memory_space<hbm>> -> memref<100000xi32, #tpu.memory_space<hbm>>
        tpu.enqueue_indirect_dma source(%dma_start3A_82 : memref<100000xi32, #tpu.memory_space<hbm>>) target(%dma_start3A : memref<128xi32, #tpu.memory_space<vmem>>) offsets(%dma_start3A_80 : memref<128xi32, #tpu.memory_space<vmem>>) semaphore(%arg14 : memref<!tpu.dma_semaphore, #tpu.memory_space<semaphore_mem>>)
      }
      %scan3A_74 = arith.constant 100 : i32
    } else {
    }
    %add3A_3 = arith.constant 0 : i32
    %add3A_4 = arith.addi %add3A, %add3A_3 : i32
    %add3A_5 = arith.constant 32 : i32
    %add3A_6 = arith.addi %add3A, %add3A_5 : i32
    %lt3A_7 = arith.constant 125 : i32
    %lt3A_8 = arith.cmpi slt, %add3A_6, %lt3A_7 : i32
    %convert_element_type3A_9 = arith.extui %lt3A_8 : i1 to i32
    %cond3A_10 = arith.constant 0 : i32
    %cond3A_11 = arith.cmpi ne, %convert_element_type3A_9, %cond3A_10 : i32
    scf.if %cond3A_11 {
      %mul3A_54 = arith.constant 3200 : i32
      %mul3A_55 = arith.muli %add3A_6, %mul3A_54 : i32
      %add3A_56 = arith.constant 0 : i32
      %add3A_57 = arith.addi %add3A_56, %mul3A_55 : i32
      "tpu.region"() ({
        %run_scoped3A = tpu.sem_alloc : memref<!tpu.dma_semaphore, #tpu.memory_space<semaphore_mem>>
        %dma_start3A = arith.constant 0 : i32
        %dma_start3A_75 = tpu.memref_slice %arg8[%dma_start3A] : memref<12800xi32, #tpu.memory_space<vmem>> -> memref<3200xi32, #tpu.memory_space<vmem>>
        %dma_start3A_76 = tpu.memref_slice %arg3[%add3A_57] : memref<1600000xi32, #tpu.memory_space<hbm>> -> memref<3200xi32, #tpu.memory_space<hbm>>
        %dma_start3A_77 = arith.constant 0 : i32
        %dma_start3A_78 = tpu.memref_slice %arg8[%dma_start3A_77] : memref<12800xi32, #tpu.memory_space<vmem>> -> memref<3200xi32, #tpu.memory_space<vmem>>
        %dma_start3A_79 = tpu.memref_slice %arg3[%add3A_57] : memref<1600000xi32, #tpu.memory_space<hbm>> -> memref<3200xi32, #tpu.memory_space<hbm>>
        tpu.enqueue_dma source(%dma_start3A_79 : memref<3200xi32, #tpu.memory_space<hbm>>) target(%dma_start3A_78 : memref<3200xi32, #tpu.memory_space<vmem>>) target_semaphore(%run_scoped3A : memref<!tpu.dma_semaphore, #tpu.memory_space<semaphore_mem>>)
        %dma_wait3A = arith.constant 0 : i32
        %dma_wait3A_80 = tpu.memref_slice %arg8[%dma_wait3A] : memref<12800xi32, #tpu.memory_space<vmem>> -> memref<3200xi32, #tpu.memory_space<vmem>>
        %dma_wait3A_81 = tpu.memref_slice %arg3[%add3A_57] : memref<1600000xi32, #tpu.memory_space<hbm>> -> memref<3200xi32, #tpu.memory_space<hbm>>
        %dma_wait3A_82 = arith.constant 0 : i32
        %dma_wait3A_83 = tpu.memref_slice %arg8[%dma_wait3A_82] : memref<12800xi32, #tpu.memory_space<vmem>> -> memref<3200xi32, #tpu.memory_space<vmem>>
        %dma_wait3A_84 = tpu.memref_slice %arg3[%add3A_57] : memref<1600000xi32, #tpu.memory_space<hbm>> -> memref<3200xi32, #tpu.memory_space<hbm>>
        tpu.wait_dma2 semaphore(%run_scoped3A : memref<!tpu.dma_semaphore, #tpu.memory_space<semaphore_mem>>) src(%dma_wait3A_84 : memref<3200xi32, #tpu.memory_space<hbm>>) dst(%dma_wait3A_83 : memref<3200xi32, #tpu.memory_space<vmem>>)
        tpu.yield
      }) : () -> ()
      %mul3A_58 = arith.constant 3200 : i32
      %mul3A_59 = arith.muli %add3A_6, %mul3A_58 : i32
      %add3A_60 = arith.constant 400000 : i32
      %add3A_61 = arith.addi %add3A_60, %mul3A_59 : i32
      "tpu.region"() ({
        %run_scoped3A = tpu.sem_alloc : memref<!tpu.dma_semaphore, #tpu.memory_space<semaphore_mem>>
        %dma_start3A = arith.constant 3200 : i32
        %dma_start3A_75 = tpu.memref_slice %arg8[%dma_start3A] : memref<12800xi32, #tpu.memory_space<vmem>> -> memref<3200xi32, #tpu.memory_space<vmem>>
        %dma_start3A_76 = tpu.memref_slice %arg3[%add3A_61] : memref<1600000xi32, #tpu.memory_space<hbm>> -> memref<3200xi32, #tpu.memory_space<hbm>>
        %dma_start3A_77 = arith.constant 3200 : i32
        %dma_start3A_78 = tpu.memref_slice %arg8[%dma_start3A_77] : memref<12800xi32, #tpu.memory_space<vmem>> -> memref<3200xi32, #tpu.memory_space<vmem>>
        %dma_start3A_79 = tpu.memref_slice %arg3[%add3A_61] : memref<1600000xi32, #tpu.memory_space<hbm>> -> memref<3200xi32, #tpu.memory_space<hbm>>
        tpu.enqueue_dma source(%dma_start3A_79 : memref<3200xi32, #tpu.memory_space<hbm>>) target(%dma_start3A_78 : memref<3200xi32, #tpu.memory_space<vmem>>) target_semaphore(%run_scoped3A : memref<!tpu.dma_semaphore, #tpu.memory_space<semaphore_mem>>)
        %dma_wait3A = arith.constant 3200 : i32
        %dma_wait3A_80 = tpu.memref_slice %arg8[%dma_wait3A] : memref<12800xi32, #tpu.memory_space<vmem>> -> memref<3200xi32, #tpu.memory_space<vmem>>
        %dma_wait3A_81 = tpu.memref_slice %arg3[%add3A_61] : memref<1600000xi32, #tpu.memory_space<hbm>> -> memref<3200xi32, #tpu.memory_space<hbm>>
        %dma_wait3A_82 = arith.constant 3200 : i32
        %dma_wait3A_83 = tpu.memref_slice %arg8[%dma_wait3A_82] : memref<12800xi32, #tpu.memory_space<vmem>> -> memref<3200xi32, #tpu.memory_space<vmem>>
        %dma_wait3A_84 = tpu.memref_slice %arg3[%add3A_61] : memref<1600000xi32, #tpu.memory_space<hbm>> -> memref<3200xi32, #tpu.memory_space<hbm>>
        tpu.wait_dma2 semaphore(%run_scoped3A : memref<!tpu.dma_semaphore, #tpu.memory_space<semaphore_mem>>) src(%dma_wait3A_84 : memref<3200xi32, #tpu.memory_space<hbm>>) dst(%dma_wait3A_83 : memref<3200xi32, #tpu.memory_space<vmem>>)
        tpu.yield
      }) : () -> ()
      %mul3A_62 = arith.constant 3200 : i32
      %mul3A_63 = arith.muli %add3A_6, %mul3A_62 : i32
      %add3A_64 = arith.constant 800000 : i32
      %add3A_65 = arith.addi %add3A_64, %mul3A_63 : i32
      "tpu.region"() ({
        %run_scoped3A = tpu.sem_alloc : memref<!tpu.dma_semaphore, #tpu.memory_space<semaphore_mem>>
        %dma_start3A = arith.constant 6400 : i32
        %dma_start3A_75 = tpu.memref_slice %arg8[%dma_start3A] : memref<12800xi32, #tpu.memory_space<vmem>> -> memref<3200xi32, #tpu.memory_space<vmem>>
        %dma_start3A_76 = tpu.memref_slice %arg3[%add3A_65] : memref<1600000xi32, #tpu.memory_space<hbm>> -> memref<3200xi32, #tpu.memory_space<hbm>>
        %dma_start3A_77 = arith.constant 6400 : i32
        %dma_start3A_78 = tpu.memref_slice %arg8[%dma_start3A_77] : memref<12800xi32, #tpu.memory_space<vmem>> -> memref<3200xi32, #tpu.memory_space<vmem>>
        %dma_start3A_79 = tpu.memref_slice %arg3[%add3A_65] : memref<1600000xi32, #tpu.memory_space<hbm>> -> memref<3200xi32, #tpu.memory_space<hbm>>
        tpu.enqueue_dma source(%dma_start3A_79 : memref<3200xi32, #tpu.memory_space<hbm>>) target(%dma_start3A_78 : memref<3200xi32, #tpu.memory_space<vmem>>) target_semaphore(%run_scoped3A : memref<!tpu.dma_semaphore, #tpu.memory_space<semaphore_mem>>)
        %dma_wait3A = arith.constant 6400 : i32
        %dma_wait3A_80 = tpu.memref_slice %arg8[%dma_wait3A] : memref<12800xi32, #tpu.memory_space<vmem>> -> memref<3200xi32, #tpu.memory_space<vmem>>
        %dma_wait3A_81 = tpu.memref_slice %arg3[%add3A_65] : memref<1600000xi32, #tpu.memory_space<hbm>> -> memref<3200xi32, #tpu.memory_space<hbm>>
        %dma_wait3A_82 = arith.constant 6400 : i32
        %dma_wait3A_83 = tpu.memref_slice %arg8[%dma_wait3A_82] : memref<12800xi32, #tpu.memory_space<vmem>> -> memref<3200xi32, #tpu.memory_space<vmem>>
        %dma_wait3A_84 = tpu.memref_slice %arg3[%add3A_65] : memref<1600000xi32, #tpu.memory_space<hbm>> -> memref<3200xi32, #tpu.memory_space<hbm>>
        tpu.wait_dma2 semaphore(%run_scoped3A : memref<!tpu.dma_semaphore, #tpu.memory_space<semaphore_mem>>) src(%dma_wait3A_84 : memref<3200xi32, #tpu.memory_space<hbm>>) dst(%dma_wait3A_83 : memref<3200xi32, #tpu.memory_space<vmem>>)
        tpu.yield
      }) : () -> ()
      %mul3A_66 = arith.constant 3200 : i32
      %mul3A_67 = arith.muli %add3A_6, %mul3A_66 : i32
      %add3A_68 = arith.constant 1200000 : i32
      %add3A_69 = arith.addi %add3A_68, %mul3A_67 : i32
      "tpu.region"() ({
        %run_scoped3A = tpu.sem_alloc : memref<!tpu.dma_semaphore, #tpu.memory_space<semaphore_mem>>
        %dma_start3A = arith.constant 9600 : i32
        %dma_start3A_75 = tpu.memref_slice %arg8[%dma_start3A] : memref<12800xi32, #tpu.memory_space<vmem>> -> memref<3200xi32, #tpu.memory_space<vmem>>
        %dma_start3A_76 = tpu.memref_slice %arg3[%add3A_69] : memref<1600000xi32, #tpu.memory_space<hbm>> -> memref<3200xi32, #tpu.memory_space<hbm>>
        %dma_start3A_77 = arith.constant 9600 : i32
        %dma_start3A_78 = tpu.memref_slice %arg8[%dma_start3A_77] : memref<12800xi32, #tpu.memory_space<vmem>> -> memref<3200xi32, #tpu.memory_space<vmem>>
        %dma_start3A_79 = tpu.memref_slice %arg3[%add3A_69] : memref<1600000xi32, #tpu.memory_space<hbm>> -> memref<3200xi32, #tpu.memory_space<hbm>>
        tpu.enqueue_dma source(%dma_start3A_79 : memref<3200xi32, #tpu.memory_space<hbm>>) target(%dma_start3A_78 : memref<3200xi32, #tpu.memory_space<vmem>>) target_semaphore(%run_scoped3A : memref<!tpu.dma_semaphore, #tpu.memory_space<semaphore_mem>>)
        %dma_wait3A = arith.constant 9600 : i32
        %dma_wait3A_80 = tpu.memref_slice %arg8[%dma_wait3A] : memref<12800xi32, #tpu.memory_space<vmem>> -> memref<3200xi32, #tpu.memory_space<vmem>>
        %dma_wait3A_81 = tpu.memref_slice %arg3[%add3A_69] : memref<1600000xi32, #tpu.memory_space<hbm>> -> memref<3200xi32, #tpu.memory_space<hbm>>
        %dma_wait3A_82 = arith.constant 9600 : i32
        %dma_wait3A_83 = tpu.memref_slice %arg8[%dma_wait3A_82] : memref<12800xi32, #tpu.memory_space<vmem>> -> memref<3200xi32, #tpu.memory_space<vmem>>
        %dma_wait3A_84 = tpu.memref_slice %arg3[%add3A_69] : memref<1600000xi32, #tpu.memory_space<hbm>> -> memref<3200xi32, #tpu.memory_space<hbm>>
        tpu.wait_dma2 semaphore(%run_scoped3A : memref<!tpu.dma_semaphore, #tpu.memory_space<semaphore_mem>>) src(%dma_wait3A_84 : memref<3200xi32, #tpu.memory_space<hbm>>) dst(%dma_wait3A_83 : memref<3200xi32, #tpu.memory_space<vmem>>)
        tpu.yield
      }) : () -> ()
      %scan3A = arith.constant 0 : i32
      %scan3A_70 = arith.constant 0 : i32
      %scan3A_71 = arith.constant 100 : i32
      %scan3A_72 = arith.addi %scan3A_70, %scan3A_71 : i32
      %scan3A_73 = arith.constant 1 : i32
      scf.for %scan3A_75 = %scan3A_70 to %scan3A_72 step %scan3A_73  : i32 {
        %mul3A_76 = arith.constant 128 : i32
        %mul3A_77 = arith.muli %scan3A_75, %mul3A_76 : i32
        %mul3A_78 = arith.constant 128 : i32
        %mul3A_79 = arith.muli %scan3A_75, %mul3A_78 : i32
        %dma_start3A = tpu.memref_slice %arg10[%mul3A_79] : memref<12800xi32, #tpu.memory_space<vmem>> -> memref<128xi32, #tpu.memory_space<vmem>>
        %dma_start3A_80 = tpu.memref_slice %arg8[%mul3A_77] : memref<12800xi32, #tpu.memory_space<vmem>> -> memref<128xi32, #tpu.memory_space<vmem>>
        %dma_start3A_81 = arith.constant 0 : i32
        %dma_start3A_82 = tpu.memref_slice %arg2[%dma_start3A_81] : memref<100000xi32, #tpu.memory_space<hbm>> -> memref<100000xi32, #tpu.memory_space<hbm>>
        tpu.enqueue_indirect_dma source(%dma_start3A_82 : memref<100000xi32, #tpu.memory_space<hbm>>) target(%dma_start3A : memref<128xi32, #tpu.memory_space<vmem>>) offsets(%dma_start3A_80 : memref<128xi32, #tpu.memory_space<vmem>>) semaphore(%arg15 : memref<!tpu.dma_semaphore, #tpu.memory_space<semaphore_mem>>)
      }
      %scan3A_74 = arith.constant 100 : i32
    } else {
    }
    %lt3A_12 = arith.constant 125 : i32
    %lt3A_13 = arith.cmpi slt, %add3A_4, %lt3A_12 : i32
    %convert_element_type3A_14 = arith.extui %lt3A_13 : i1 to i32
    %cond3A_15 = arith.constant 0 : i32
    %cond3A_16 = arith.cmpi ne, %convert_element_type3A_14, %cond3A_15 : i32
    scf.if %cond3A_16 {
      %dma_wait3A = arith.constant 0 : i32
      %dma_wait3A_54 = tpu.memref_slice %arg3[%dma_wait3A] : memref<1600000xi32, #tpu.memory_space<hbm>> -> memref<12800xi32, #tpu.memory_space<hbm>>
      %dma_wait3A_55 = arith.constant 0 : i32
      %dma_wait3A_56 = tpu.memref_slice %arg3[%dma_wait3A_55] : memref<1600000xi32, #tpu.memory_space<hbm>> -> memref<12800xi32, #tpu.memory_space<hbm>>
      tpu.wait_dma2 semaphore(%arg14 : memref<!tpu.dma_semaphore, #tpu.memory_space<semaphore_mem>>) src(%dma_wait3A_56 : memref<12800xi32, #tpu.memory_space<hbm>>) dst(%arg9 : memref<12800xi32, #tpu.memory_space<vmem>>)
      %scan3A = arith.constant 0 : i32
      %scan3A_57 = arith.constant 0 : i32
      %scan3A_58 = arith.constant 200 : i32
      %scan3A_59 = arith.addi %scan3A_57, %scan3A_58 : i32
      %scan3A_60 = arith.constant 1 : i32
      scf.for %scan3A_68 = %scan3A_57 to %scan3A_59 step %scan3A_60  : i32 {
        %mul3A_69 = arith.constant 16 : i32
        %mul3A_70 = arith.muli %scan3A_68, %mul3A_69 : i32
        %add3A_71 = arith.constant 0 : i32
        %add3A_72 = arith.addi %add3A_71, %mul3A_70 : i32
        %get3A = arith.index_cast %add3A_72 : i32 to index
        %get3A_73 = tpu.vector_load %arg9[%get3A] {strides = array<i32>} : memref<12800xi32, #tpu.memory_space<vmem>>, vector<16xi32>,
        %get3A_74 = vector.shape_cast %get3A_73 : vector<16xi32> to vector<16xi32>
        %shift_left3A = arith.constant 21 : i32
        %shift_left3A_75 = vector.broadcast %shift_left3A : i32 to vector<16xi32>
        %shift_left3A_76 = arith.shli %get3A_74, %shift_left3A_75 : vector<16xi32>
        %shift_right_arithmetic3A = arith.constant 21 : i32
        %shift_right_arithmetic3A_77 = vector.broadcast %shift_right_arithmetic3A : i32 to vector<16xi32>
        %shift_right_arithmetic3A_78 = arith.shrsi %shift_left3A_76, %shift_right_arithmetic3A_77 : vector<16xi32>
        %shift_left3A_79 = arith.constant 10 : i32
        %shift_left3A_80 = vector.broadcast %shift_left3A_79 : i32 to vector<16xi32>
        %shift_left3A_81 = arith.shli %get3A_74, %shift_left3A_80 : vector<16xi32>
        %shift_right_arithmetic3A_82 = arith.constant 21 : i32
        %shift_right_arithmetic3A_83 = vector.broadcast %shift_right_arithmetic3A_82 : i32 to vector<16xi32>
        %shift_right_arithmetic3A_84 = arith.shrsi %shift_left3A_81, %shift_right_arithmetic3A_83 : vector<16xi32>
        %shift_right_arithmetic3A_85 = arith.constant 22 : i32
        %shift_right_arithmetic3A_86 = vector.broadcast %shift_right_arithmetic3A_85 : i32 to vector<16xi32>
        %shift_right_arithmetic3A_87 = arith.shrsi %get3A_74, %shift_right_arithmetic3A_86 : vector<16xi32>
        %add3A_88 = arith.constant 3200 : i32
        %add3A_89 = arith.addi %add3A_88, %mul3A_70 : i32
        %get3A_90 = arith.index_cast %add3A_89 : i32 to index
        %get3A_91 = tpu.vector_load %arg9[%get3A_90] {strides = array<i32>} : memref<12800xi32, #tpu.memory_space<vmem>>, vector<16xi32>,
        %get3A_92 = vector.shape_cast %get3A_91 : vector<16xi32> to vector<16xi32>
        %shift_left3A_93 = arith.constant 21 : i32
        %shift_left3A_94 = vector.broadcast %shift_left3A_93 : i32 to vector<16xi32>
        %shift_left3A_95 = arith.shli %get3A_92, %shift_left3A_94 : vector<16xi32>
        %shift_right_arithmetic3A_96 = arith.constant 21 : i32
        %shift_right_arithmetic3A_97 = vector.broadcast %shift_right_arithmetic3A_96 : i32 to vector<16xi32>
        %shift_right_arithmetic3A_98 = arith.shrsi %shift_left3A_95, %shift_right_arithmetic3A_97 : vector<16xi32>
        %shift_left3A_99 = arith.constant 10 : i32
        %shift_left3A_100 = vector.broadcast %shift_left3A_99 : i32 to vector<16xi32>
        %shift_left3A_101 = arith.shli %get3A_92, %shift_left3A_100 : vector<16xi32>
        %shift_right_arithmetic3A_102 = arith.constant 21 : i32
        %shift_right_arithmetic3A_103 = vector.broadcast %shift_right_arithmetic3A_102 : i32 to vector<16xi32>
        %shift_right_arithmetic3A_104 = arith.shrsi %shift_left3A_101, %shift_right_arithmetic3A_103 : vector<16xi32>
        %shift_right_arithmetic3A_105 = arith.constant 22 : i32
        %shift_right_arithmetic3A_106 = vector.broadcast %shift_right_arithmetic3A_105 : i32 to vector<16xi32>
        %shift_right_arithmetic3A_107 = arith.shrsi %get3A_92, %shift_right_arithmetic3A_106 : vector<16xi32>
        %add3A_108 = arith.constant 6400 : i32
        %add3A_109 = arith.addi %add3A_108, %mul3A_70 : i32
        %get3A_110 = arith.index_cast %add3A_109 : i32 to index
        %get3A_111 = tpu.vector_load %arg9[%get3A_110] {strides = array<i32>} : memref<12800xi32, #tpu.memory_space<vmem>>, vector<16xi32>,
        %get3A_112 = vector.shape_cast %get3A_111 : vector<16xi32> to vector<16xi32>
        %shift_left3A_113 = arith.constant 21 : i32
        %shift_left3A_114 = vector.broadcast %shift_left3A_113 : i32 to vector<16xi32>
        %shift_left3A_115 = arith.shli %get3A_112, %shift_left3A_114 : vector<16xi32>
        %shift_right_arithmetic3A_116 = arith.constant 21 : i32
        %shift_right_arithmetic3A_117 = vector.broadcast %shift_right_arithmetic3A_116 : i32 to vector<16xi32>
        %shift_right_arithmetic3A_118 = arith.shrsi %shift_left3A_115, %shift_right_arithmetic3A_117 : vector<16xi32>
        %shift_left3A_119 = arith.constant 10 : i32
        %shift_left3A_120 = vector.broadcast %shift_left3A_119 : i32 to vector<16xi32>
        %shift_left3A_121 = arith.shli %get3A_112, %shift_left3A_120 : vector<16xi32>
        %shift_right_arithmetic3A_122 = arith.constant 21 : i32
        %shift_right_arithmetic3A_123 = vector.broadcast %shift_right_arithmetic3A_122 : i32 to vector<16xi32>
        %shift_right_arithmetic3A_124 = arith.shrsi %shift_left3A_121, %shift_right_arithmetic3A_123 : vector<16xi32>
        %shift_right_arithmetic3A_125 = arith.constant 22 : i32
        %shift_right_arithmetic3A_126 = vector.broadcast %shift_right_arithmetic3A_125 : i32 to vector<16xi32>
        %shift_right_arithmetic3A_127 = arith.shrsi %get3A_112, %shift_right_arithmetic3A_126 : vector<16xi32>
        %add3A_128 = arith.constant 9600 : i32
        %add3A_129 = arith.addi %add3A_128, %mul3A_70 : i32
        %get3A_130 = arith.index_cast %add3A_129 : i32 to index
        %get3A_131 = tpu.vector_load %arg9[%get3A_130] {strides = array<i32>} : memref<12800xi32, #tpu.memory_space<vmem>>, vector<16xi32>,
        %get3A_132 = vector.shape_cast %get3A_131 : vector<16xi32> to vector<16xi32>
        %shift_left3A_133 = arith.constant 21 : i32
        %shift_left3A_134 = vector.broadcast %shift_left3A_133 : i32 to vector<16xi32>
        %shift_left3A_135 = arith.shli %get3A_132, %shift_left3A_134 : vector<16xi32>
        %shift_right_arithmetic3A_136 = arith.constant 21 : i32
        %shift_right_arithmetic3A_137 = vector.broadcast %shift_right_arithmetic3A_136 : i32 to vector<16xi32>
        %shift_right_arithmetic3A_138 = arith.shrsi %shift_left3A_135, %shift_right_arithmetic3A_137 : vector<16xi32>
        %shift_left3A_139 = arith.constant 10 : i32
        %shift_left3A_140 = vector.broadcast %shift_left3A_139 : i32 to vector<16xi32>
        %shift_left3A_141 = arith.shli %get3A_132, %shift_left3A_140 : vector<16xi32>
        %shift_right_arithmetic3A_142 = arith.constant 21 : i32
        %shift_right_arithmetic3A_143 = vector.broadcast %shift_right_arithmetic3A_142 : i32 to vector<16xi32>
        %shift_right_arithmetic3A_144 = arith.shrsi %shift_left3A_141, %shift_right_arithmetic3A_143 : vector<16xi32>
        %shift_right_arithmetic3A_145 = arith.constant 22 : i32
        %shift_right_arithmetic3A_146 = vector.broadcast %shift_right_arithmetic3A_145 : i32 to vector<16xi32>
        %shift_right_arithmetic3A_147 = arith.shrsi %get3A_132, %shift_right_arithmetic3A_146 : vector<16xi32>
        %sub3A = arith.subi %shift_right_arithmetic3A_98, %shift_right_arithmetic3A_78 : vector<16xi32>
        %sub3A_148 = arith.subi %shift_right_arithmetic3A_104, %shift_right_arithmetic3A_84 : vector<16xi32>
        %sub3A_149 = arith.subi %shift_right_arithmetic3A_107, %shift_right_arithmetic3A_87 : vector<16xi32>
        %sub3A_150 = arith.subi %shift_right_arithmetic3A_118, %shift_right_arithmetic3A_98 : vector<16xi32>
        %sub3A_151 = arith.subi %shift_right_arithmetic3A_124, %shift_right_arithmetic3A_104 : vector<16xi32>
        %sub3A_152 = arith.subi %shift_right_arithmetic3A_127, %shift_right_arithmetic3A_107 : vector<16xi32>
        %sub3A_153 = arith.subi %shift_right_arithmetic3A_138, %shift_right_arithmetic3A_118 : vector<16xi32>
        %sub3A_154 = arith.subi %shift_right_arithmetic3A_144, %shift_right_arithmetic3A_124 : vector<16xi32>
        %sub3A_155 = arith.subi %shift_right_arithmetic3A_147, %shift_right_arithmetic3A_127 : vector<16xi32>
        %mul3A_156 = arith.muli %sub3A_148, %sub3A_152 : vector<16xi32>
        %mul3A_157 = arith.muli %sub3A_149, %sub3A_151 : vector<16xi32>
        %sub3A_158 = arith.subi %mul3A_156, %mul3A_157 : vector<16xi32>
        %mul3A_159 = arith.muli %sub3A_149, %sub3A_150 : vector<16xi32>
        %mul3A_160 = arith.muli %sub3A, %sub3A_152 : vector<16xi32>
        %sub3A_161 = arith.subi %mul3A_159, %mul3A_160 : vector<16xi32>
        %mul3A_162 = arith.muli %sub3A, %sub3A_151 : vector<16xi32>
        %mul3A_163 = arith.muli %sub3A_148, %sub3A_150 : vector<16xi32>
        %sub3A_164 = arith.subi %mul3A_162, %mul3A_163 : vector<16xi32>
        %mul3A_165 = arith.muli %sub3A_151, %sub3A_155 : vector<16xi32>
        %mul3A_166 = arith.muli %sub3A_152, %sub3A_154 : vector<16xi32>
        %sub3A_167 = arith.subi %mul3A_165, %mul3A_166 : vector<16xi32>
        %mul3A_168 = arith.muli %sub3A_152, %sub3A_153 : vector<16xi32>
        %mul3A_169 = arith.muli %sub3A_150, %sub3A_155 : vector<16xi32>
        %sub3A_170 = arith.subi %mul3A_168, %mul3A_169 : vector<16xi32>
        %mul3A_171 = arith.muli %sub3A_150, %sub3A_154 : vector<16xi32>
        %mul3A_172 = arith.muli %sub3A_151, %sub3A_153 : vector<16xi32>
        %sub3A_173 = arith.subi %mul3A_171, %mul3A_172 : vector<16xi32>
        %convert_element_type3A_174 = arith.sitofp %sub3A_158 : vector<16xi32> to vector<16xf32>
        %convert_element_type3A_175 = arith.sitofp %sub3A_161 : vector<16xi32> to vector<16xf32>
        %convert_element_type3A_176 = arith.sitofp %sub3A_164 : vector<16xi32> to vector<16xf32>
        %convert_element_type3A_177 = arith.sitofp %sub3A_167 : vector<16xi32> to vector<16xf32>
        %convert_element_type3A_178 = arith.sitofp %sub3A_170 : vector<16xi32> to vector<16xf32>
        %convert_element_type3A_179 = arith.sitofp %sub3A_173 : vector<16xi32> to vector<16xf32>
        %convert_element_type3A_180 = arith.sitofp %sub3A_153 : vector<16xi32> to vector<16xf32>
        %convert_element_type3A_181 = arith.sitofp %sub3A_154 : vector<16xi32> to vector<16xf32>
        %convert_element_type3A_182 = arith.sitofp %sub3A_155 : vector<16xi32> to vector<16xf32>
        %mul3A_183 = arith.mulf %convert_element_type3A_174, %convert_element_type3A_177 : vector<16xf32>
        %mul3A_184 = arith.mulf %convert_element_type3A_175, %convert_element_type3A_178 : vector<16xf32>
        %add3A_185 = arith.addf %mul3A_183, %mul3A_184 : vector<16xf32>
        %mul3A_186 = arith.mulf %convert_element_type3A_176, %convert_element_type3A_179 : vector<16xf32>
        %add3A_187 = arith.addf %add3A_185, %mul3A_186 : vector<16xf32>
        %mul3A_188 = arith.mulf %convert_element_type3A_174, %convert_element_type3A_174 : vector<16xf32>
        %mul3A_189 = arith.mulf %convert_element_type3A_175, %convert_element_type3A_175 : vector<16xf32>
        %add3A_190 = arith.addf %mul3A_188, %mul3A_189 : vector<16xf32>
        %mul3A_191 = arith.mulf %convert_element_type3A_176, %convert_element_type3A_176 : vector<16xf32>
        %add3A_192 = arith.addf %add3A_190, %mul3A_191 : vector<16xf32>
        %mul3A_193 = arith.mulf %convert_element_type3A_177, %convert_element_type3A_177 : vector<16xf32>
        %mul3A_194 = arith.mulf %convert_element_type3A_178, %convert_element_type3A_178 : vector<16xf32>
        %add3A_195 = arith.addf %mul3A_193, %mul3A_194 : vector<16xf32>
        %mul3A_196 = arith.mulf %convert_element_type3A_179, %convert_element_type3A_179 : vector<16xf32>
        %add3A_197 = arith.addf %add3A_195, %mul3A_196 : vector<16xf32>
        %mul3A_198 = arith.mulf %convert_element_type3A_174, %convert_element_type3A_180 : vector<16xf32>
        %mul3A_199 = arith.mulf %convert_element_type3A_175, %convert_element_type3A_181 : vector<16xf32>
        %add3A_200 = arith.addf %mul3A_198, %mul3A_199 : vector<16xf32>
        %mul3A_201 = arith.mulf %convert_element_type3A_176, %convert_element_type3A_182 : vector<16xf32>
        %add3A_202 = arith.addf %add3A_200, %mul3A_201 : vector<16xf32>
        %swap3A = arith.index_cast %mul3A_70 : i32 to index
        %swap3A_203 = tpu.vector_load %arg11[%swap3A] {strides = array<i32>} : memref<3200xf32, #tpu.memory_space<vmem>>, vector<16xf32>,
        %swap3A_204 = vector.shape_cast %swap3A_203 : vector<16xf32> to vector<16xf32>
        %swap3A_205 = vector.shape_cast %add3A_187 : vector<16xf32> to vector<16xf32>
        tpu.vector_store %arg11[%swap3A], %swap3A_205 {strides = array<i32>} : memref<3200xf32, #tpu.memory_space<vmem>>, vector<16xf32>,
        %mul3A_206 = arith.mulf %add3A_192, %add3A_197 : vector<16xf32>
        %swap3A_207 = arith.index_cast %mul3A_70 : i32 to index
        %swap3A_208 = tpu.vector_load %arg12[%swap3A_207] {strides = array<i32>} : memref<3200xf32, #tpu.memory_space<vmem>>, vector<16xf32>,
        %swap3A_209 = vector.shape_cast %swap3A_208 : vector<16xf32> to vector<16xf32>
        %swap3A_210 = vector.shape_cast %mul3A_206 : vector<16xf32> to vector<16xf32>
        tpu.vector_store %arg12[%swap3A_207], %swap3A_210 {strides = array<i32>} : memref<3200xf32, #tpu.memory_space<vmem>>, vector<16xf32>,
        %swap3A_211 = arith.index_cast %mul3A_70 : i32 to index
        %swap3A_212 = tpu.vector_load %arg13[%swap3A_211] {strides = array<i32>} : memref<3200xf32, #tpu.memory_space<vmem>>, vector<16xf32>,
        %swap3A_213 = vector.shape_cast %swap3A_212 : vector<16xf32> to vector<16xf32>
        %swap3A_214 = vector.shape_cast %add3A_202 : vector<16xf32> to vector<16xf32>
        tpu.vector_store %arg13[%swap3A_211], %swap3A_214 {strides = array<i32>} : memref<3200xf32, #tpu.memory_space<vmem>>, vector<16xf32>,
      }
      %scan3A_61 = arith.constant 200 : i32
      %mul3A_62 = arith.constant 3200 : i32
      %mul3A_63 = arith.muli %add3A_4, %mul3A_62 : i32
      "tpu.region"() ({
        %run_scoped3A = tpu.sem_alloc : memref<!tpu.dma_semaphore, #tpu.memory_space<semaphore_mem>>
        %dma_start3A = tpu.memref_slice %arg4[%mul3A_63] : memref<400000xf32, #tpu.memory_space<hbm>> -> memref<3200xf32, #tpu.memory_space<hbm>>
        %dma_start3A_68 = tpu.memref_slice %arg4[%mul3A_63] : memref<400000xf32, #tpu.memory_space<hbm>> -> memref<3200xf32, #tpu.memory_space<hbm>>
        tpu.enqueue_dma source(%arg11 : memref<3200xf32, #tpu.memory_space<vmem>>) target(%dma_start3A_68 : memref<3200xf32, #tpu.memory_space<hbm>>) target_semaphore(%run_scoped3A : memref<!tpu.dma_semaphore, #tpu.memory_space<semaphore_mem>>)
        %dma_wait3A_69 = tpu.memref_slice %arg4[%mul3A_63] : memref<400000xf32, #tpu.memory_space<hbm>> -> memref<3200xf32, #tpu.memory_space<hbm>>
        %dma_wait3A_70 = tpu.memref_slice %arg4[%mul3A_63] : memref<400000xf32, #tpu.memory_space<hbm>> -> memref<3200xf32, #tpu.memory_space<hbm>>
        tpu.wait_dma2 semaphore(%run_scoped3A : memref<!tpu.dma_semaphore, #tpu.memory_space<semaphore_mem>>) src(%arg11 : memref<3200xf32, #tpu.memory_space<vmem>>) dst(%dma_wait3A_70 : memref<3200xf32, #tpu.memory_space<hbm>>)
        tpu.yield
      }) : () -> ()
      %mul3A_64 = arith.constant 3200 : i32
      %mul3A_65 = arith.muli %add3A_4, %mul3A_64 : i32
      "tpu.region"() ({
        %run_scoped3A = tpu.sem_alloc : memref<!tpu.dma_semaphore, #tpu.memory_space<semaphore_mem>>
        %dma_start3A = tpu.memref_slice %arg5[%mul3A_65] : memref<400000xf32, #tpu.memory_space<hbm>> -> memref<3200xf32, #tpu.memory_space<hbm>>
        %dma_start3A_68 = tpu.memref_slice %arg5[%mul3A_65] : memref<400000xf32, #tpu.memory_space<hbm>> -> memref<3200xf32, #tpu.memory_space<hbm>>
        tpu.enqueue_dma source(%arg12 : memref<3200xf32, #tpu.memory_space<vmem>>) target(%dma_start3A_68 : memref<3200xf32, #tpu.memory_space<hbm>>) target_semaphore(%run_scoped3A : memref<!tpu.dma_semaphore, #tpu.memory_space<semaphore_mem>>)
        %dma_wait3A_69 = tpu.memref_slice %arg5[%mul3A_65] : memref<400000xf32, #tpu.memory_space<hbm>> -> memref<3200xf32, #tpu.memory_space<hbm>>
        %dma_wait3A_70 = tpu.memref_slice %arg5[%mul3A_65] : memref<400000xf32, #tpu.memory_space<hbm>> -> memref<3200xf32, #tpu.memory_space<hbm>>
        tpu.wait_dma2 semaphore(%run_scoped3A : memref<!tpu.dma_semaphore, #tpu.memory_space<semaphore_mem>>) src(%arg12 : memref<3200xf32, #tpu.memory_space<vmem>>) dst(%dma_wait3A_70 : memref<3200xf32, #tpu.memory_space<hbm>>)
        tpu.yield
      }) : () -> ()
      %mul3A_66 = arith.constant 3200 : i32
      %mul3A_67 = arith.muli %add3A_4, %mul3A_66 : i32
      "tpu.region"() ({
        %run_scoped3A = tpu.sem_alloc : memref<!tpu.dma_semaphore, #tpu.memory_space<semaphore_mem>>
        %dma_start3A = tpu.memref_slice %arg6[%mul3A_67] : memref<400000xf32, #tpu.memory_space<hbm>> -> memref<3200xf32, #tpu.memory_space<hbm>>
        %dma_start3A_68 = tpu.memref_slice %arg6[%mul3A_67] : memref<400000xf32, #tpu.memory_space<hbm>> -> memref<3200xf32, #tpu.memory_space<hbm>>
        tpu.enqueue_dma source(%arg13 : memref<3200xf32, #tpu.memory_space<vmem>>) target(%dma_start3A_68 : memref<3200xf32, #tpu.memory_space<hbm>>) target_semaphore(%run_scoped3A : memref<!tpu.dma_semaphore, #tpu.memory_space<semaphore_mem>>)
        %dma_wait3A_69 = tpu.memref_slice %arg6[%mul3A_67] : memref<400000xf32, #tpu.memory_space<hbm>> -> memref<3200xf32, #tpu.memory_space<hbm>>
        %dma_wait3A_70 = tpu.memref_slice %arg6[%mul3A_67] : memref<400000xf32, #tpu.memory_space<hbm>> -> memref<3200xf32, #tpu.memory_space<hbm>>
        tpu.wait_dma2 semaphore(%run_scoped3A : memref<!tpu.dma_semaphore, #tpu.memory_space<semaphore_mem>>) src(%arg13 : memref<3200xf32, #tpu.memory_space<vmem>>) dst(%dma_wait3A_70 : memref<3200xf32, #tpu.memory_space<hbm>>)
        tpu.yield
      }) : () -> ()
    } else {
    }
    %add3A_17 = arith.constant 32 : i32
    %add3A_18 = arith.addi %add3A, %add3A_17 : i32
    %add3A_19 = arith.constant 64 : i32
    %add3A_20 = arith.addi %add3A, %add3A_19 : i32
    %lt3A_21 = arith.constant 125 : i32
    %lt3A_22 = arith.cmpi slt, %add3A_20, %lt3A_21 : i32
    %convert_element_type3A_23 = arith.extui %lt3A_22 : i1 to i32
    %cond3A_24 = arith.constant 0 : i32
    %cond3A_25 = arith.cmpi ne, %convert_element_type3A_23, %cond3A_24 : i32
    scf.if %cond3A_25 {
      %mul3A_54 = arith.constant 3200 : i32
      %mul3A_55 = arith.muli %add3A_20, %mul3A_54 : i32
      %add3A_56 = arith.constant 0 : i32
      %add3A_57 = arith.addi %add3A_56, %mul3A_55 : i32
      "tpu.region"() ({
        %run_scoped3A = tpu.sem_alloc : memref<!tpu.dma_semaphore, #tpu.memory_space<semaphore_mem>>
        %dma_start3A = arith.constant 0 : i32
        %dma_start3A_75 = tpu.memref_slice %arg7[%dma_start3A] : memref<12800xi32, #tpu.memory_space<vmem>> -> memref<3200xi32, #tpu.memory_space<vmem>>
        %dma_start3A_76 = tpu.memref_slice %arg3[%add3A_57] : memref<1600000xi32, #tpu.memory_space<hbm>> -> memref<3200xi32, #tpu.memory_space<hbm>>
        %dma_start3A_77 = arith.constant 0 : i32
        %dma_start3A_78 = tpu.memref_slice %arg7[%dma_start3A_77] : memref<12800xi32, #tpu.memory_space<vmem>> -> memref<3200xi32, #tpu.memory_space<vmem>>
        %dma_start3A_79 = tpu.memref_slice %arg3[%add3A_57] : memref<1600000xi32, #tpu.memory_space<hbm>> -> memref<3200xi32, #tpu.memory_space<hbm>>
        tpu.enqueue_dma source(%dma_start3A_79 : memref<3200xi32, #tpu.memory_space<hbm>>) target(%dma_start3A_78 : memref<3200xi32, #tpu.memory_space<vmem>>) target_semaphore(%run_scoped3A : memref<!tpu.dma_semaphore, #tpu.memory_space<semaphore_mem>>)
        %dma_wait3A = arith.constant 0 : i32
        %dma_wait3A_80 = tpu.memref_slice %arg7[%dma_wait3A] : memref<12800xi32, #tpu.memory_space<vmem>> -> memref<3200xi32, #tpu.memory_space<vmem>>
        %dma_wait3A_81 = tpu.memref_slice %arg3[%add3A_57] : memref<1600000xi32, #tpu.memory_space<hbm>> -> memref<3200xi32, #tpu.memory_space<hbm>>
        %dma_wait3A_82 = arith.constant 0 : i32
        %dma_wait3A_83 = tpu.memref_slice %arg7[%dma_wait3A_82] : memref<12800xi32, #tpu.memory_space<vmem>> -> memref<3200xi32, #tpu.memory_space<vmem>>
        %dma_wait3A_84 = tpu.memref_slice %arg3[%add3A_57] : memref<1600000xi32, #tpu.memory_space<hbm>> -> memref<3200xi32, #tpu.memory_space<hbm>>
        tpu.wait_dma2 semaphore(%run_scoped3A : memref<!tpu.dma_semaphore, #tpu.memory_space<semaphore_mem>>) src(%dma_wait3A_84 : memref<3200xi32, #tpu.memory_space<hbm>>) dst(%dma_wait3A_83 : memref<3200xi32, #tpu.memory_space<vmem>>)
        tpu.yield
      }) : () -> ()
      %mul3A_58 = arith.constant 3200 : i32
      %mul3A_59 = arith.muli %add3A_20, %mul3A_58 : i32
      %add3A_60 = arith.constant 400000 : i32
      %add3A_61 = arith.addi %add3A_60, %mul3A_59 : i32
      "tpu.region"() ({
        %run_scoped3A = tpu.sem_alloc : memref<!tpu.dma_semaphore, #tpu.memory_space<semaphore_mem>>
        %dma_start3A = arith.constant 3200 : i32
        %dma_start3A_75 = tpu.memref_slice %arg7[%dma_start3A] : memref<12800xi32, #tpu.memory_space<vmem>> -> memref<3200xi32, #tpu.memory_space<vmem>>
        %dma_start3A_76 = tpu.memref_slice %arg3[%add3A_61] : memref<1600000xi32, #tpu.memory_space<hbm>> -> memref<3200xi32, #tpu.memory_space<hbm>>
        %dma_start3A_77 = arith.constant 3200 : i32
        %dma_start3A_78 = tpu.memref_slice %arg7[%dma_start3A_77] : memref<12800xi32, #tpu.memory_space<vmem>> -> memref<3200xi32, #tpu.memory_space<vmem>>
        %dma_start3A_79 = tpu.memref_slice %arg3[%add3A_61] : memref<1600000xi32, #tpu.memory_space<hbm>> -> memref<3200xi32, #tpu.memory_space<hbm>>
        tpu.enqueue_dma source(%dma_start3A_79 : memref<3200xi32, #tpu.memory_space<hbm>>) target(%dma_start3A_78 : memref<3200xi32, #tpu.memory_space<vmem>>) target_semaphore(%run_scoped3A : memref<!tpu.dma_semaphore, #tpu.memory_space<semaphore_mem>>)
        %dma_wait3A = arith.constant 3200 : i32
        %dma_wait3A_80 = tpu.memref_slice %arg7[%dma_wait3A] : memref<12800xi32, #tpu.memory_space<vmem>> -> memref<3200xi32, #tpu.memory_space<vmem>>
        %dma_wait3A_81 = tpu.memref_slice %arg3[%add3A_61] : memref<1600000xi32, #tpu.memory_space<hbm>> -> memref<3200xi32, #tpu.memory_space<hbm>>
        %dma_wait3A_82 = arith.constant 3200 : i32
        %dma_wait3A_83 = tpu.memref_slice %arg7[%dma_wait3A_82] : memref<12800xi32, #tpu.memory_space<vmem>> -> memref<3200xi32, #tpu.memory_space<vmem>>
        %dma_wait3A_84 = tpu.memref_slice %arg3[%add3A_61] : memref<1600000xi32, #tpu.memory_space<hbm>> -> memref<3200xi32, #tpu.memory_space<hbm>>
        tpu.wait_dma2 semaphore(%run_scoped3A : memref<!tpu.dma_semaphore, #tpu.memory_space<semaphore_mem>>) src(%dma_wait3A_84 : memref<3200xi32, #tpu.memory_space<hbm>>) dst(%dma_wait3A_83 : memref<3200xi32, #tpu.memory_space<vmem>>)
        tpu.yield
      }) : () -> ()
      %mul3A_62 = arith.constant 3200 : i32
      %mul3A_63 = arith.muli %add3A_20, %mul3A_62 : i32
      %add3A_64 = arith.constant 800000 : i32
      %add3A_65 = arith.addi %add3A_64, %mul3A_63 : i32
      "tpu.region"() ({
        %run_scoped3A = tpu.sem_alloc : memref<!tpu.dma_semaphore, #tpu.memory_space<semaphore_mem>>
        %dma_start3A = arith.constant 6400 : i32
        %dma_start3A_75 = tpu.memref_slice %arg7[%dma_start3A] : memref<12800xi32, #tpu.memory_space<vmem>> -> memref<3200xi32, #tpu.memory_space<vmem>>
        %dma_start3A_76 = tpu.memref_slice %arg3[%add3A_65] : memref<1600000xi32, #tpu.memory_space<hbm>> -> memref<3200xi32, #tpu.memory_space<hbm>>
        %dma_start3A_77 = arith.constant 6400 : i32
        %dma_start3A_78 = tpu.memref_slice %arg7[%dma_start3A_77] : memref<12800xi32, #tpu.memory_space<vmem>> -> memref<3200xi32, #tpu.memory_space<vmem>>
        %dma_start3A_79 = tpu.memref_slice %arg3[%add3A_65] : memref<1600000xi32, #tpu.memory_space<hbm>> -> memref<3200xi32, #tpu.memory_space<hbm>>
        tpu.enqueue_dma source(%dma_start3A_79 : memref<3200xi32, #tpu.memory_space<hbm>>) target(%dma_start3A_78 : memref<3200xi32, #tpu.memory_space<vmem>>) target_semaphore(%run_scoped3A : memref<!tpu.dma_semaphore, #tpu.memory_space<semaphore_mem>>)
        %dma_wait3A = arith.constant 6400 : i32
        %dma_wait3A_80 = tpu.memref_slice %arg7[%dma_wait3A] : memref<12800xi32, #tpu.memory_space<vmem>> -> memref<3200xi32, #tpu.memory_space<vmem>>
        %dma_wait3A_81 = tpu.memref_slice %arg3[%add3A_65] : memref<1600000xi32, #tpu.memory_space<hbm>> -> memref<3200xi32, #tpu.memory_space<hbm>>
        %dma_wait3A_82 = arith.constant 6400 : i32
        %dma_wait3A_83 = tpu.memref_slice %arg7[%dma_wait3A_82] : memref<12800xi32, #tpu.memory_space<vmem>> -> memref<3200xi32, #tpu.memory_space<vmem>>
        %dma_wait3A_84 = tpu.memref_slice %arg3[%add3A_65] : memref<1600000xi32, #tpu.memory_space<hbm>> -> memref<3200xi32, #tpu.memory_space<hbm>>
        tpu.wait_dma2 semaphore(%run_scoped3A : memref<!tpu.dma_semaphore, #tpu.memory_space<semaphore_mem>>) src(%dma_wait3A_84 : memref<3200xi32, #tpu.memory_space<hbm>>) dst(%dma_wait3A_83 : memref<3200xi32, #tpu.memory_space<vmem>>)
        tpu.yield
      }) : () -> ()
      %mul3A_66 = arith.constant 3200 : i32
      %mul3A_67 = arith.muli %add3A_20, %mul3A_66 : i32
      %add3A_68 = arith.constant 1200000 : i32
      %add3A_69 = arith.addi %add3A_68, %mul3A_67 : i32
      "tpu.region"() ({
        %run_scoped3A = tpu.sem_alloc : memref<!tpu.dma_semaphore, #tpu.memory_space<semaphore_mem>>
        %dma_start3A = arith.constant 9600 : i32
        %dma_start3A_75 = tpu.memref_slice %arg7[%dma_start3A] : memref<12800xi32, #tpu.memory_space<vmem>> -> memref<3200xi32, #tpu.memory_space<vmem>>
        %dma_start3A_76 = tpu.memref_slice %arg3[%add3A_69] : memref<1600000xi32, #tpu.memory_space<hbm>> -> memref<3200xi32, #tpu.memory_space<hbm>>
        %dma_start3A_77 = arith.constant 9600 : i32
        %dma_start3A_78 = tpu.memref_slice %arg7[%dma_start3A_77] : memref<12800xi32, #tpu.memory_space<vmem>> -> memref<3200xi32, #tpu.memory_space<vmem>>
        %dma_start3A_79 = tpu.memref_slice %arg3[%add3A_69] : memref<1600000xi32, #tpu.memory_space<hbm>> -> memref<3200xi32, #tpu.memory_space<hbm>>
        tpu.enqueue_dma source(%dma_start3A_79 : memref<3200xi32, #tpu.memory_space<hbm>>) target(%dma_start3A_78 : memref<3200xi32, #tpu.memory_space<vmem>>) target_semaphore(%run_scoped3A : memref<!tpu.dma_semaphore, #tpu.memory_space<semaphore_mem>>)
        %dma_wait3A = arith.constant 9600 : i32
        %dma_wait3A_80 = tpu.memref_slice %arg7[%dma_wait3A] : memref<12800xi32, #tpu.memory_space<vmem>> -> memref<3200xi32, #tpu.memory_space<vmem>>
        %dma_wait3A_81 = tpu.memref_slice %arg3[%add3A_69] : memref<1600000xi32, #tpu.memory_space<hbm>> -> memref<3200xi32, #tpu.memory_space<hbm>>
        %dma_wait3A_82 = arith.constant 9600 : i32
        %dma_wait3A_83 = tpu.memref_slice %arg7[%dma_wait3A_82] : memref<12800xi32, #tpu.memory_space<vmem>> -> memref<3200xi32, #tpu.memory_space<vmem>>
        %dma_wait3A_84 = tpu.memref_slice %arg3[%add3A_69] : memref<1600000xi32, #tpu.memory_space<hbm>> -> memref<3200xi32, #tpu.memory_space<hbm>>
        tpu.wait_dma2 semaphore(%run_scoped3A : memref<!tpu.dma_semaphore, #tpu.memory_space<semaphore_mem>>) src(%dma_wait3A_84 : memref<3200xi32, #tpu.memory_space<hbm>>) dst(%dma_wait3A_83 : memref<3200xi32, #tpu.memory_space<vmem>>)
        tpu.yield
      }) : () -> ()
      %scan3A = arith.constant 0 : i32
      %scan3A_70 = arith.constant 0 : i32
      %scan3A_71 = arith.constant 100 : i32
      %scan3A_72 = arith.addi %scan3A_70, %scan3A_71 : i32
      %scan3A_73 = arith.constant 1 : i32
      scf.for %scan3A_75 = %scan3A_70 to %scan3A_72 step %scan3A_73  : i32 {
        %mul3A_76 = arith.constant 128 : i32
        %mul3A_77 = arith.muli %scan3A_75, %mul3A_76 : i32
        %mul3A_78 = arith.constant 128 : i32
        %mul3A_79 = arith.muli %scan3A_75, %mul3A_78 : i32
        %dma_start3A = tpu.memref_slice %arg9[%mul3A_79] : memref<12800xi32, #tpu.memory_space<vmem>> -> memref<128xi32, #tpu.memory_space<vmem>>
        %dma_start3A_80 = tpu.memref_slice %arg7[%mul3A_77] : memref<12800xi32, #tpu.memory_space<vmem>> -> memref<128xi32, #tpu.memory_space<vmem>>
        %dma_start3A_81 = arith.constant 0 : i32
        %dma_start3A_82 = tpu.memref_slice %arg2[%dma_start3A_81] : memref<100000xi32, #tpu.memory_space<hbm>> -> memref<100000xi32, #tpu.memory_space<hbm>>
        tpu.enqueue_indirect_dma source(%dma_start3A_82 : memref<100000xi32, #tpu.memory_space<hbm>>) target(%dma_start3A : memref<128xi32, #tpu.memory_space<vmem>>) offsets(%dma_start3A_80 : memref<128xi32, #tpu.memory_space<vmem>>) semaphore(%arg14 : memref<!tpu.dma_semaphore, #tpu.memory_space<semaphore_mem>>)
      }
      %scan3A_74 = arith.constant 100 : i32
    } else {
    }
    %lt3A_26 = arith.constant 125 : i32
    %lt3A_27 = arith.cmpi slt, %add3A_18, %lt3A_26 : i32
    %convert_element_type3A_28 = arith.extui %lt3A_27 : i1 to i32
    %cond3A_29 = arith.constant 0 : i32
    %cond3A_30 = arith.cmpi ne, %convert_element_type3A_28, %cond3A_29 : i32
    scf.if %cond3A_30 {
      %dma_wait3A = arith.constant 0 : i32
      %dma_wait3A_54 = tpu.memref_slice %arg3[%dma_wait3A] : memref<1600000xi32, #tpu.memory_space<hbm>> -> memref<12800xi32, #tpu.memory_space<hbm>>
      %dma_wait3A_55 = arith.constant 0 : i32
      %dma_wait3A_56 = tpu.memref_slice %arg3[%dma_wait3A_55] : memref<1600000xi32, #tpu.memory_space<hbm>> -> memref<12800xi32, #tpu.memory_space<hbm>>
      tpu.wait_dma2 semaphore(%arg15 : memref<!tpu.dma_semaphore, #tpu.memory_space<semaphore_mem>>) src(%dma_wait3A_56 : memref<12800xi32, #tpu.memory_space<hbm>>) dst(%arg10 : memref<12800xi32, #tpu.memory_space<vmem>>)
      %scan3A = arith.constant 0 : i32
      %scan3A_57 = arith.constant 0 : i32
      %scan3A_58 = arith.constant 200 : i32
      %scan3A_59 = arith.addi %scan3A_57, %scan3A_58 : i32
      %scan3A_60 = arith.constant 1 : i32
      scf.for %scan3A_68 = %scan3A_57 to %scan3A_59 step %scan3A_60  : i32 {
        %mul3A_69 = arith.constant 16 : i32
        %mul3A_70 = arith.muli %scan3A_68, %mul3A_69 : i32
        %add3A_71 = arith.constant 0 : i32
        %add3A_72 = arith.addi %add3A_71, %mul3A_70 : i32
        %get3A = arith.index_cast %add3A_72 : i32 to index
        %get3A_73 = tpu.vector_load %arg10[%get3A] {strides = array<i32>} : memref<12800xi32, #tpu.memory_space<vmem>>, vector<16xi32>,
        %get3A_74 = vector.shape_cast %get3A_73 : vector<16xi32> to vector<16xi32>
        %shift_left3A = arith.constant 21 : i32
        %shift_left3A_75 = vector.broadcast %shift_left3A : i32 to vector<16xi32>
        %shift_left3A_76 = arith.shli %get3A_74, %shift_left3A_75 : vector<16xi32>
        %shift_right_arithmetic3A = arith.constant 21 : i32
        %shift_right_arithmetic3A_77 = vector.broadcast %shift_right_arithmetic3A : i32 to vector<16xi32>
        %shift_right_arithmetic3A_78 = arith.shrsi %shift_left3A_76, %shift_right_arithmetic3A_77 : vector<16xi32>
        %shift_left3A_79 = arith.constant 10 : i32
        %shift_left3A_80 = vector.broadcast %shift_left3A_79 : i32 to vector<16xi32>
        %shift_left3A_81 = arith.shli %get3A_74, %shift_left3A_80 : vector<16xi32>
        %shift_right_arithmetic3A_82 = arith.constant 21 : i32
        %shift_right_arithmetic3A_83 = vector.broadcast %shift_right_arithmetic3A_82 : i32 to vector<16xi32>
        %shift_right_arithmetic3A_84 = arith.shrsi %shift_left3A_81, %shift_right_arithmetic3A_83 : vector<16xi32>
        %shift_right_arithmetic3A_85 = arith.constant 22 : i32
        %shift_right_arithmetic3A_86 = vector.broadcast %shift_right_arithmetic3A_85 : i32 to vector<16xi32>
        %shift_right_arithmetic3A_87 = arith.shrsi %get3A_74, %shift_right_arithmetic3A_86 : vector<16xi32>
        %add3A_88 = arith.constant 3200 : i32
        %add3A_89 = arith.addi %add3A_88, %mul3A_70 : i32
        %get3A_90 = arith.index_cast %add3A_89 : i32 to index
        %get3A_91 = tpu.vector_load %arg10[%get3A_90] {strides = array<i32>} : memref<12800xi32, #tpu.memory_space<vmem>>, vector<16xi32>,
        %get3A_92 = vector.shape_cast %get3A_91 : vector<16xi32> to vector<16xi32>
        %shift_left3A_93 = arith.constant 21 : i32
        %shift_left3A_94 = vector.broadcast %shift_left3A_93 : i32 to vector<16xi32>
        %shift_left3A_95 = arith.shli %get3A_92, %shift_left3A_94 : vector<16xi32>
        %shift_right_arithmetic3A_96 = arith.constant 21 : i32
        %shift_right_arithmetic3A_97 = vector.broadcast %shift_right_arithmetic3A_96 : i32 to vector<16xi32>
        %shift_right_arithmetic3A_98 = arith.shrsi %shift_left3A_95, %shift_right_arithmetic3A_97 : vector<16xi32>
        %shift_left3A_99 = arith.constant 10 : i32
        %shift_left3A_100 = vector.broadcast %shift_left3A_99 : i32 to vector<16xi32>
        %shift_left3A_101 = arith.shli %get3A_92, %shift_left3A_100 : vector<16xi32>
        %shift_right_arithmetic3A_102 = arith.constant 21 : i32
        %shift_right_arithmetic3A_103 = vector.broadcast %shift_right_arithmetic3A_102 : i32 to vector<16xi32>
        %shift_right_arithmetic3A_104 = arith.shrsi %shift_left3A_101, %shift_right_arithmetic3A_103 : vector<16xi32>
        %shift_right_arithmetic3A_105 = arith.constant 22 : i32
        %shift_right_arithmetic3A_106 = vector.broadcast %shift_right_arithmetic3A_105 : i32 to vector<16xi32>
        %shift_right_arithmetic3A_107 = arith.shrsi %get3A_92, %shift_right_arithmetic3A_106 : vector<16xi32>
        %add3A_108 = arith.constant 6400 : i32
        %add3A_109 = arith.addi %add3A_108, %mul3A_70 : i32
        %get3A_110 = arith.index_cast %add3A_109 : i32 to index
        %get3A_111 = tpu.vector_load %arg10[%get3A_110] {strides = array<i32>} : memref<12800xi32, #tpu.memory_space<vmem>>, vector<16xi32>,
        %get3A_112 = vector.shape_cast %get3A_111 : vector<16xi32> to vector<16xi32>
        %shift_left3A_113 = arith.constant 21 : i32
        %shift_left3A_114 = vector.broadcast %shift_left3A_113 : i32 to vector<16xi32>
        %shift_left3A_115 = arith.shli %get3A_112, %shift_left3A_114 : vector<16xi32>
        %shift_right_arithmetic3A_116 = arith.constant 21 : i32
        %shift_right_arithmetic3A_117 = vector.broadcast %shift_right_arithmetic3A_116 : i32 to vector<16xi32>
        %shift_right_arithmetic3A_118 = arith.shrsi %shift_left3A_115, %shift_right_arithmetic3A_117 : vector<16xi32>
        %shift_left3A_119 = arith.constant 10 : i32
        %shift_left3A_120 = vector.broadcast %shift_left3A_119 : i32 to vector<16xi32>
        %shift_left3A_121 = arith.shli %get3A_112, %shift_left3A_120 : vector<16xi32>
        %shift_right_arithmetic3A_122 = arith.constant 21 : i32
        %shift_right_arithmetic3A_123 = vector.broadcast %shift_right_arithmetic3A_122 : i32 to vector<16xi32>
        %shift_right_arithmetic3A_124 = arith.shrsi %shift_left3A_121, %shift_right_arithmetic3A_123 : vector<16xi32>
        %shift_right_arithmetic3A_125 = arith.constant 22 : i32
        %shift_right_arithmetic3A_126 = vector.broadcast %shift_right_arithmetic3A_125 : i32 to vector<16xi32>
        %shift_right_arithmetic3A_127 = arith.shrsi %get3A_112, %shift_right_arithmetic3A_126 : vector<16xi32>
        %add3A_128 = arith.constant 9600 : i32
        %add3A_129 = arith.addi %add3A_128, %mul3A_70 : i32
        %get3A_130 = arith.index_cast %add3A_129 : i32 to index
        %get3A_131 = tpu.vector_load %arg10[%get3A_130] {strides = array<i32>} : memref<12800xi32, #tpu.memory_space<vmem>>, vector<16xi32>,
        %get3A_132 = vector.shape_cast %get3A_131 : vector<16xi32> to vector<16xi32>
        %shift_left3A_133 = arith.constant 21 : i32
        %shift_left3A_134 = vector.broadcast %shift_left3A_133 : i32 to vector<16xi32>
        %shift_left3A_135 = arith.shli %get3A_132, %shift_left3A_134 : vector<16xi32>
        %shift_right_arithmetic3A_136 = arith.constant 21 : i32
        %shift_right_arithmetic3A_137 = vector.broadcast %shift_right_arithmetic3A_136 : i32 to vector<16xi32>
        %shift_right_arithmetic3A_138 = arith.shrsi %shift_left3A_135, %shift_right_arithmetic3A_137 : vector<16xi32>
        %shift_left3A_139 = arith.constant 10 : i32
        %shift_left3A_140 = vector.broadcast %shift_left3A_139 : i32 to vector<16xi32>
        %shift_left3A_141 = arith.shli %get3A_132, %shift_left3A_140 : vector<16xi32>
        %shift_right_arithmetic3A_142 = arith.constant 21 : i32
        %shift_right_arithmetic3A_143 = vector.broadcast %shift_right_arithmetic3A_142 : i32 to vector<16xi32>
        %shift_right_arithmetic3A_144 = arith.shrsi %shift_left3A_141, %shift_right_arithmetic3A_143 : vector<16xi32>
        %shift_right_arithmetic3A_145 = arith.constant 22 : i32
        %shift_right_arithmetic3A_146 = vector.broadcast %shift_right_arithmetic3A_145 : i32 to vector<16xi32>
        %shift_right_arithmetic3A_147 = arith.shrsi %get3A_132, %shift_right_arithmetic3A_146 : vector<16xi32>
        %sub3A = arith.subi %shift_right_arithmetic3A_98, %shift_right_arithmetic3A_78 : vector<16xi32>
        %sub3A_148 = arith.subi %shift_right_arithmetic3A_104, %shift_right_arithmetic3A_84 : vector<16xi32>
        %sub3A_149 = arith.subi %shift_right_arithmetic3A_107, %shift_right_arithmetic3A_87 : vector<16xi32>
        %sub3A_150 = arith.subi %shift_right_arithmetic3A_118, %shift_right_arithmetic3A_98 : vector<16xi32>
        %sub3A_151 = arith.subi %shift_right_arithmetic3A_124, %shift_right_arithmetic3A_104 : vector<16xi32>
        %sub3A_152 = arith.subi %shift_right_arithmetic3A_127, %shift_right_arithmetic3A_107 : vector<16xi32>
        %sub3A_153 = arith.subi %shift_right_arithmetic3A_138, %shift_right_arithmetic3A_118 : vector<16xi32>
        %sub3A_154 = arith.subi %shift_right_arithmetic3A_144, %shift_right_arithmetic3A_124 : vector<16xi32>
        %sub3A_155 = arith.subi %shift_right_arithmetic3A_147, %shift_right_arithmetic3A_127 : vector<16xi32>
        %mul3A_156 = arith.muli %sub3A_148, %sub3A_152 : vector<16xi32>
        %mul3A_157 = arith.muli %sub3A_149, %sub3A_151 : vector<16xi32>
        %sub3A_158 = arith.subi %mul3A_156, %mul3A_157 : vector<16xi32>
        %mul3A_159 = arith.muli %sub3A_149, %sub3A_150 : vector<16xi32>
        %mul3A_160 = arith.muli %sub3A, %sub3A_152 : vector<16xi32>
        %sub3A_161 = arith.subi %mul3A_159, %mul3A_160 : vector<16xi32>
        %mul3A_162 = arith.muli %sub3A, %sub3A_151 : vector<16xi32>
        %mul3A_163 = arith.muli %sub3A_148, %sub3A_150 : vector<16xi32>
        %sub3A_164 = arith.subi %mul3A_162, %mul3A_163 : vector<16xi32>
        %mul3A_165 = arith.muli %sub3A_151, %sub3A_155 : vector<16xi32>
        %mul3A_166 = arith.muli %sub3A_152, %sub3A_154 : vector<16xi32>
        %sub3A_167 = arith.subi %mul3A_165, %mul3A_166 : vector<16xi32>
        %mul3A_168 = arith.muli %sub3A_152, %sub3A_153 : vector<16xi32>
        %mul3A_169 = arith.muli %sub3A_150, %sub3A_155 : vector<16xi32>
        %sub3A_170 = arith.subi %mul3A_168, %mul3A_169 : vector<16xi32>
        %mul3A_171 = arith.muli %sub3A_150, %sub3A_154 : vector<16xi32>
        %mul3A_172 = arith.muli %sub3A_151, %sub3A_153 : vector<16xi32>
        %sub3A_173 = arith.subi %mul3A_171, %mul3A_172 : vector<16xi32>
        %convert_element_type3A_174 = arith.sitofp %sub3A_158 : vector<16xi32> to vector<16xf32>
        %convert_element_type3A_175 = arith.sitofp %sub3A_161 : vector<16xi32> to vector<16xf32>
        %convert_element_type3A_176 = arith.sitofp %sub3A_164 : vector<16xi32> to vector<16xf32>
        %convert_element_type3A_177 = arith.sitofp %sub3A_167 : vector<16xi32> to vector<16xf32>
        %convert_element_type3A_178 = arith.sitofp %sub3A_170 : vector<16xi32> to vector<16xf32>
        %convert_element_type3A_179 = arith.sitofp %sub3A_173 : vector<16xi32> to vector<16xf32>
        %convert_element_type3A_180 = arith.sitofp %sub3A_153 : vector<16xi32> to vector<16xf32>
        %convert_element_type3A_181 = arith.sitofp %sub3A_154 : vector<16xi32> to vector<16xf32>
        %convert_element_type3A_182 = arith.sitofp %sub3A_155 : vector<16xi32> to vector<16xf32>
        %mul3A_183 = arith.mulf %convert_element_type3A_174, %convert_element_type3A_177 : vector<16xf32>
        %mul3A_184 = arith.mulf %convert_element_type3A_175, %convert_element_type3A_178 : vector<16xf32>
        %add3A_185 = arith.addf %mul3A_183, %mul3A_184 : vector<16xf32>
        %mul3A_186 = arith.mulf %convert_element_type3A_176, %convert_element_type3A_179 : vector<16xf32>
        %add3A_187 = arith.addf %add3A_185, %mul3A_186 : vector<16xf32>
        %mul3A_188 = arith.mulf %convert_element_type3A_174, %convert_element_type3A_174 : vector<16xf32>
        %mul3A_189 = arith.mulf %convert_element_type3A_175, %convert_element_type3A_175 : vector<16xf32>
        %add3A_190 = arith.addf %mul3A_188, %mul3A_189 : vector<16xf32>
        %mul3A_191 = arith.mulf %convert_element_type3A_176, %convert_element_type3A_176 : vector<16xf32>
        %add3A_192 = arith.addf %add3A_190, %mul3A_191 : vector<16xf32>
        %mul3A_193 = arith.mulf %convert_element_type3A_177, %convert_element_type3A_177 : vector<16xf32>
        %mul3A_194 = arith.mulf %convert_element_type3A_178, %convert_element_type3A_178 : vector<16xf32>
        %add3A_195 = arith.addf %mul3A_193, %mul3A_194 : vector<16xf32>
        %mul3A_196 = arith.mulf %convert_element_type3A_179, %convert_element_type3A_179 : vector<16xf32>
        %add3A_197 = arith.addf %add3A_195, %mul3A_196 : vector<16xf32>
        %mul3A_198 = arith.mulf %convert_element_type3A_174, %convert_element_type3A_180 : vector<16xf32>
        %mul3A_199 = arith.mulf %convert_element_type3A_175, %convert_element_type3A_181 : vector<16xf32>
        %add3A_200 = arith.addf %mul3A_198, %mul3A_199 : vector<16xf32>
        %mul3A_201 = arith.mulf %convert_element_type3A_176, %convert_element_type3A_182 : vector<16xf32>
        %add3A_202 = arith.addf %add3A_200, %mul3A_201 : vector<16xf32>
        %swap3A = arith.index_cast %mul3A_70 : i32 to index
        %swap3A_203 = tpu.vector_load %arg11[%swap3A] {strides = array<i32>} : memref<3200xf32, #tpu.memory_space<vmem>>, vector<16xf32>,
        %swap3A_204 = vector.shape_cast %swap3A_203 : vector<16xf32> to vector<16xf32>
        %swap3A_205 = vector.shape_cast %add3A_187 : vector<16xf32> to vector<16xf32>
        tpu.vector_store %arg11[%swap3A], %swap3A_205 {strides = array<i32>} : memref<3200xf32, #tpu.memory_space<vmem>>, vector<16xf32>,
        %mul3A_206 = arith.mulf %add3A_192, %add3A_197 : vector<16xf32>
        %swap3A_207 = arith.index_cast %mul3A_70 : i32 to index
        %swap3A_208 = tpu.vector_load %arg12[%swap3A_207] {strides = array<i32>} : memref<3200xf32, #tpu.memory_space<vmem>>, vector<16xf32>,
        %swap3A_209 = vector.shape_cast %swap3A_208 : vector<16xf32> to vector<16xf32>
        %swap3A_210 = vector.shape_cast %mul3A_206 : vector<16xf32> to vector<16xf32>
        tpu.vector_store %arg12[%swap3A_207], %swap3A_210 {strides = array<i32>} : memref<3200xf32, #tpu.memory_space<vmem>>, vector<16xf32>,
        %swap3A_211 = arith.index_cast %mul3A_70 : i32 to index
        %swap3A_212 = tpu.vector_load %arg13[%swap3A_211] {strides = array<i32>} : memref<3200xf32, #tpu.memory_space<vmem>>, vector<16xf32>,
        %swap3A_213 = vector.shape_cast %swap3A_212 : vector<16xf32> to vector<16xf32>
        %swap3A_214 = vector.shape_cast %add3A_202 : vector<16xf32> to vector<16xf32>
        tpu.vector_store %arg13[%swap3A_211], %swap3A_214 {strides = array<i32>} : memref<3200xf32, #tpu.memory_space<vmem>>, vector<16xf32>,
      }
      %scan3A_61 = arith.constant 200 : i32
      %mul3A_62 = arith.constant 3200 : i32
      %mul3A_63 = arith.muli %add3A_18, %mul3A_62 : i32
      "tpu.region"() ({
        %run_scoped3A = tpu.sem_alloc : memref<!tpu.dma_semaphore, #tpu.memory_space<semaphore_mem>>
        %dma_start3A = tpu.memref_slice %arg4[%mul3A_63] : memref<400000xf32, #tpu.memory_space<hbm>> -> memref<3200xf32, #tpu.memory_space<hbm>>
        %dma_start3A_68 = tpu.memref_slice %arg4[%mul3A_63] : memref<400000xf32, #tpu.memory_space<hbm>> -> memref<3200xf32, #tpu.memory_space<hbm>>
        tpu.enqueue_dma source(%arg11 : memref<3200xf32, #tpu.memory_space<vmem>>) target(%dma_start3A_68 : memref<3200xf32, #tpu.memory_space<hbm>>) target_semaphore(%run_scoped3A : memref<!tpu.dma_semaphore, #tpu.memory_space<semaphore_mem>>)
        %dma_wait3A_69 = tpu.memref_slice %arg4[%mul3A_63] : memref<400000xf32, #tpu.memory_space<hbm>> -> memref<3200xf32, #tpu.memory_space<hbm>>
        %dma_wait3A_70 = tpu.memref_slice %arg4[%mul3A_63] : memref<400000xf32, #tpu.memory_space<hbm>> -> memref<3200xf32, #tpu.memory_space<hbm>>
        tpu.wait_dma2 semaphore(%run_scoped3A : memref<!tpu.dma_semaphore, #tpu.memory_space<semaphore_mem>>) src(%arg11 : memref<3200xf32, #tpu.memory_space<vmem>>) dst(%dma_wait3A_70 : memref<3200xf32, #tpu.memory_space<hbm>>)
        tpu.yield
      }) : () -> ()
      %mul3A_64 = arith.constant 3200 : i32
      %mul3A_65 = arith.muli %add3A_18, %mul3A_64 : i32
      "tpu.region"() ({
        %run_scoped3A = tpu.sem_alloc : memref<!tpu.dma_semaphore, #tpu.memory_space<semaphore_mem>>
        %dma_start3A = tpu.memref_slice %arg5[%mul3A_65] : memref<400000xf32, #tpu.memory_space<hbm>> -> memref<3200xf32, #tpu.memory_space<hbm>>
        %dma_start3A_68 = tpu.memref_slice %arg5[%mul3A_65] : memref<400000xf32, #tpu.memory_space<hbm>> -> memref<3200xf32, #tpu.memory_space<hbm>>
        tpu.enqueue_dma source(%arg12 : memref<3200xf32, #tpu.memory_space<vmem>>) target(%dma_start3A_68 : memref<3200xf32, #tpu.memory_space<hbm>>) target_semaphore(%run_scoped3A : memref<!tpu.dma_semaphore, #tpu.memory_space<semaphore_mem>>)
        %dma_wait3A_69 = tpu.memref_slice %arg5[%mul3A_65] : memref<400000xf32, #tpu.memory_space<hbm>> -> memref<3200xf32, #tpu.memory_space<hbm>>
        %dma_wait3A_70 = tpu.memref_slice %arg5[%mul3A_65] : memref<400000xf32, #tpu.memory_space<hbm>> -> memref<3200xf32, #tpu.memory_space<hbm>>
        tpu.wait_dma2 semaphore(%run_scoped3A : memref<!tpu.dma_semaphore, #tpu.memory_space<semaphore_mem>>) src(%arg12 : memref<3200xf32, #tpu.memory_space<vmem>>) dst(%dma_wait3A_70 : memref<3200xf32, #tpu.memory_space<hbm>>)
        tpu.yield
      }) : () -> ()
      %mul3A_66 = arith.constant 3200 : i32
      %mul3A_67 = arith.muli %add3A_18, %mul3A_66 : i32
      "tpu.region"() ({
        %run_scoped3A = tpu.sem_alloc : memref<!tpu.dma_semaphore, #tpu.memory_space<semaphore_mem>>
        %dma_start3A = tpu.memref_slice %arg6[%mul3A_67] : memref<400000xf32, #tpu.memory_space<hbm>> -> memref<3200xf32, #tpu.memory_space<hbm>>
        %dma_start3A_68 = tpu.memref_slice %arg6[%mul3A_67] : memref<400000xf32, #tpu.memory_space<hbm>> -> memref<3200xf32, #tpu.memory_space<hbm>>
        tpu.enqueue_dma source(%arg13 : memref<3200xf32, #tpu.memory_space<vmem>>) target(%dma_start3A_68 : memref<3200xf32, #tpu.memory_space<hbm>>) target_semaphore(%run_scoped3A : memref<!tpu.dma_semaphore, #tpu.memory_space<semaphore_mem>>)
        %dma_wait3A_69 = tpu.memref_slice %arg6[%mul3A_67] : memref<400000xf32, #tpu.memory_space<hbm>> -> memref<3200xf32, #tpu.memory_space<hbm>>
        %dma_wait3A_70 = tpu.memref_slice %arg6[%mul3A_67] : memref<400000xf32, #tpu.memory_space<hbm>> -> memref<3200xf32, #tpu.memory_space<hbm>>
        tpu.wait_dma2 semaphore(%run_scoped3A : memref<!tpu.dma_semaphore, #tpu.memory_space<semaphore_mem>>) src(%arg13 : memref<3200xf32, #tpu.memory_space<vmem>>) dst(%dma_wait3A_70 : memref<3200xf32, #tpu.memory_space<hbm>>)
        tpu.yield
      }) : () -> ()
    } else {
    }
    %add3A_31 = arith.constant 64 : i32
    %add3A_32 = arith.addi %add3A, %add3A_31 : i32
    %add3A_33 = arith.constant 96 : i32
    %add3A_34 = arith.addi %add3A, %add3A_33 : i32
    %lt3A_35 = arith.constant 125 : i32
    %lt3A_36 = arith.cmpi slt, %add3A_34, %lt3A_35 : i32
    %convert_element_type3A_37 = arith.extui %lt3A_36 : i1 to i32
    %cond3A_38 = arith.constant 0 : i32
    %cond3A_39 = arith.cmpi ne, %convert_element_type3A_37, %cond3A_38 : i32
    scf.if %cond3A_39 {
      %mul3A_54 = arith.constant 3200 : i32
      %mul3A_55 = arith.muli %add3A_34, %mul3A_54 : i32
      %add3A_56 = arith.constant 0 : i32
      %add3A_57 = arith.addi %add3A_56, %mul3A_55 : i32
      "tpu.region"() ({
        %run_scoped3A = tpu.sem_alloc : memref<!tpu.dma_semaphore, #tpu.memory_space<semaphore_mem>>
        %dma_start3A = arith.constant 0 : i32
        %dma_start3A_75 = tpu.memref_slice %arg8[%dma_start3A] : memref<12800xi32, #tpu.memory_space<vmem>> -> memref<3200xi32, #tpu.memory_space<vmem>>
        %dma_start3A_76 = tpu.memref_slice %arg3[%add3A_57] : memref<1600000xi32, #tpu.memory_space<hbm>> -> memref<3200xi32, #tpu.memory_space<hbm>>
        %dma_start3A_77 = arith.constant 0 : i32
        %dma_start3A_78 = tpu.memref_slice %arg8[%dma_start3A_77] : memref<12800xi32, #tpu.memory_space<vmem>> -> memref<3200xi32, #tpu.memory_space<vmem>>
        %dma_start3A_79 = tpu.memref_slice %arg3[%add3A_57] : memref<1600000xi32, #tpu.memory_space<hbm>> -> memref<3200xi32, #tpu.memory_space<hbm>>
        tpu.enqueue_dma source(%dma_start3A_79 : memref<3200xi32, #tpu.memory_space<hbm>>) target(%dma_start3A_78 : memref<3200xi32, #tpu.memory_space<vmem>>) target_semaphore(%run_scoped3A : memref<!tpu.dma_semaphore, #tpu.memory_space<semaphore_mem>>)
        %dma_wait3A = arith.constant 0 : i32
        %dma_wait3A_80 = tpu.memref_slice %arg8[%dma_wait3A] : memref<12800xi32, #tpu.memory_space<vmem>> -> memref<3200xi32, #tpu.memory_space<vmem>>
        %dma_wait3A_81 = tpu.memref_slice %arg3[%add3A_57] : memref<1600000xi32, #tpu.memory_space<hbm>> -> memref<3200xi32, #tpu.memory_space<hbm>>
        %dma_wait3A_82 = arith.constant 0 : i32
        %dma_wait3A_83 = tpu.memref_slice %arg8[%dma_wait3A_82] : memref<12800xi32, #tpu.memory_space<vmem>> -> memref<3200xi32, #tpu.memory_space<vmem>>
        %dma_wait3A_84 = tpu.memref_slice %arg3[%add3A_57] : memref<1600000xi32, #tpu.memory_space<hbm>> -> memref<3200xi32, #tpu.memory_space<hbm>>
        tpu.wait_dma2 semaphore(%run_scoped3A : memref<!tpu.dma_semaphore, #tpu.memory_space<semaphore_mem>>) src(%dma_wait3A_84 : memref<3200xi32, #tpu.memory_space<hbm>>) dst(%dma_wait3A_83 : memref<3200xi32, #tpu.memory_space<vmem>>)
        tpu.yield
      }) : () -> ()
      %mul3A_58 = arith.constant 3200 : i32
      %mul3A_59 = arith.muli %add3A_34, %mul3A_58 : i32
      %add3A_60 = arith.constant 400000 : i32
      %add3A_61 = arith.addi %add3A_60, %mul3A_59 : i32
      "tpu.region"() ({
        %run_scoped3A = tpu.sem_alloc : memref<!tpu.dma_semaphore, #tpu.memory_space<semaphore_mem>>
        %dma_start3A = arith.constant 3200 : i32
        %dma_start3A_75 = tpu.memref_slice %arg8[%dma_start3A] : memref<12800xi32, #tpu.memory_space<vmem>> -> memref<3200xi32, #tpu.memory_space<vmem>>
        %dma_start3A_76 = tpu.memref_slice %arg3[%add3A_61] : memref<1600000xi32, #tpu.memory_space<hbm>> -> memref<3200xi32, #tpu.memory_space<hbm>>
        %dma_start3A_77 = arith.constant 3200 : i32
        %dma_start3A_78 = tpu.memref_slice %arg8[%dma_start3A_77] : memref<12800xi32, #tpu.memory_space<vmem>> -> memref<3200xi32, #tpu.memory_space<vmem>>
        %dma_start3A_79 = tpu.memref_slice %arg3[%add3A_61] : memref<1600000xi32, #tpu.memory_space<hbm>> -> memref<3200xi32, #tpu.memory_space<hbm>>
        tpu.enqueue_dma source(%dma_start3A_79 : memref<3200xi32, #tpu.memory_space<hbm>>) target(%dma_start3A_78 : memref<3200xi32, #tpu.memory_space<vmem>>) target_semaphore(%run_scoped3A : memref<!tpu.dma_semaphore, #tpu.memory_space<semaphore_mem>>)
        %dma_wait3A = arith.constant 3200 : i32
        %dma_wait3A_80 = tpu.memref_slice %arg8[%dma_wait3A] : memref<12800xi32, #tpu.memory_space<vmem>> -> memref<3200xi32, #tpu.memory_space<vmem>>
        %dma_wait3A_81 = tpu.memref_slice %arg3[%add3A_61] : memref<1600000xi32, #tpu.memory_space<hbm>> -> memref<3200xi32, #tpu.memory_space<hbm>>
        %dma_wait3A_82 = arith.constant 3200 : i32
        %dma_wait3A_83 = tpu.memref_slice %arg8[%dma_wait3A_82] : memref<12800xi32, #tpu.memory_space<vmem>> -> memref<3200xi32, #tpu.memory_space<vmem>>
        %dma_wait3A_84 = tpu.memref_slice %arg3[%add3A_61] : memref<1600000xi32, #tpu.memory_space<hbm>> -> memref<3200xi32, #tpu.memory_space<hbm>>
        tpu.wait_dma2 semaphore(%run_scoped3A : memref<!tpu.dma_semaphore, #tpu.memory_space<semaphore_mem>>) src(%dma_wait3A_84 : memref<3200xi32, #tpu.memory_space<hbm>>) dst(%dma_wait3A_83 : memref<3200xi32, #tpu.memory_space<vmem>>)
        tpu.yield
      }) : () -> ()
      %mul3A_62 = arith.constant 3200 : i32
      %mul3A_63 = arith.muli %add3A_34, %mul3A_62 : i32
      %add3A_64 = arith.constant 800000 : i32
      %add3A_65 = arith.addi %add3A_64, %mul3A_63 : i32
      "tpu.region"() ({
        %run_scoped3A = tpu.sem_alloc : memref<!tpu.dma_semaphore, #tpu.memory_space<semaphore_mem>>
        %dma_start3A = arith.constant 6400 : i32
        %dma_start3A_75 = tpu.memref_slice %arg8[%dma_start3A] : memref<12800xi32, #tpu.memory_space<vmem>> -> memref<3200xi32, #tpu.memory_space<vmem>>
        %dma_start3A_76 = tpu.memref_slice %arg3[%add3A_65] : memref<1600000xi32, #tpu.memory_space<hbm>> -> memref<3200xi32, #tpu.memory_space<hbm>>
        %dma_start3A_77 = arith.constant 6400 : i32
        %dma_start3A_78 = tpu.memref_slice %arg8[%dma_start3A_77] : memref<12800xi32, #tpu.memory_space<vmem>> -> memref<3200xi32, #tpu.memory_space<vmem>>
        %dma_start3A_79 = tpu.memref_slice %arg3[%add3A_65] : memref<1600000xi32, #tpu.memory_space<hbm>> -> memref<3200xi32, #tpu.memory_space<hbm>>
        tpu.enqueue_dma source(%dma_start3A_79 : memref<3200xi32, #tpu.memory_space<hbm>>) target(%dma_start3A_78 : memref<3200xi32, #tpu.memory_space<vmem>>) target_semaphore(%run_scoped3A : memref<!tpu.dma_semaphore, #tpu.memory_space<semaphore_mem>>)
        %dma_wait3A = arith.constant 6400 : i32
        %dma_wait3A_80 = tpu.memref_slice %arg8[%dma_wait3A] : memref<12800xi32, #tpu.memory_space<vmem>> -> memref<3200xi32, #tpu.memory_space<vmem>>
        %dma_wait3A_81 = tpu.memref_slice %arg3[%add3A_65] : memref<1600000xi32, #tpu.memory_space<hbm>> -> memref<3200xi32, #tpu.memory_space<hbm>>
        %dma_wait3A_82 = arith.constant 6400 : i32
        %dma_wait3A_83 = tpu.memref_slice %arg8[%dma_wait3A_82] : memref<12800xi32, #tpu.memory_space<vmem>> -> memref<3200xi32, #tpu.memory_space<vmem>>
        %dma_wait3A_84 = tpu.memref_slice %arg3[%add3A_65] : memref<1600000xi32, #tpu.memory_space<hbm>> -> memref<3200xi32, #tpu.memory_space<hbm>>
        tpu.wait_dma2 semaphore(%run_scoped3A : memref<!tpu.dma_semaphore, #tpu.memory_space<semaphore_mem>>) src(%dma_wait3A_84 : memref<3200xi32, #tpu.memory_space<hbm>>) dst(%dma_wait3A_83 : memref<3200xi32, #tpu.memory_space<vmem>>)
        tpu.yield
      }) : () -> ()
      %mul3A_66 = arith.constant 3200 : i32
      %mul3A_67 = arith.muli %add3A_34, %mul3A_66 : i32
      %add3A_68 = arith.constant 1200000 : i32
      %add3A_69 = arith.addi %add3A_68, %mul3A_67 : i32
      "tpu.region"() ({
        %run_scoped3A = tpu.sem_alloc : memref<!tpu.dma_semaphore, #tpu.memory_space<semaphore_mem>>
        %dma_start3A = arith.constant 9600 : i32
        %dma_start3A_75 = tpu.memref_slice %arg8[%dma_start3A] : memref<12800xi32, #tpu.memory_space<vmem>> -> memref<3200xi32, #tpu.memory_space<vmem>>
        %dma_start3A_76 = tpu.memref_slice %arg3[%add3A_69] : memref<1600000xi32, #tpu.memory_space<hbm>> -> memref<3200xi32, #tpu.memory_space<hbm>>
        %dma_start3A_77 = arith.constant 9600 : i32
        %dma_start3A_78 = tpu.memref_slice %arg8[%dma_start3A_77] : memref<12800xi32, #tpu.memory_space<vmem>> -> memref<3200xi32, #tpu.memory_space<vmem>>
        %dma_start3A_79 = tpu.memref_slice %arg3[%add3A_69] : memref<1600000xi32, #tpu.memory_space<hbm>> -> memref<3200xi32, #tpu.memory_space<hbm>>
        tpu.enqueue_dma source(%dma_start3A_79 : memref<3200xi32, #tpu.memory_space<hbm>>) target(%dma_start3A_78 : memref<3200xi32, #tpu.memory_space<vmem>>) target_semaphore(%run_scoped3A : memref<!tpu.dma_semaphore, #tpu.memory_space<semaphore_mem>>)
        %dma_wait3A = arith.constant 9600 : i32
        %dma_wait3A_80 = tpu.memref_slice %arg8[%dma_wait3A] : memref<12800xi32, #tpu.memory_space<vmem>> -> memref<3200xi32, #tpu.memory_space<vmem>>
        %dma_wait3A_81 = tpu.memref_slice %arg3[%add3A_69] : memref<1600000xi32, #tpu.memory_space<hbm>> -> memref<3200xi32, #tpu.memory_space<hbm>>
        %dma_wait3A_82 = arith.constant 9600 : i32
        %dma_wait3A_83 = tpu.memref_slice %arg8[%dma_wait3A_82] : memref<12800xi32, #tpu.memory_space<vmem>> -> memref<3200xi32, #tpu.memory_space<vmem>>
        %dma_wait3A_84 = tpu.memref_slice %arg3[%add3A_69] : memref<1600000xi32, #tpu.memory_space<hbm>> -> memref<3200xi32, #tpu.memory_space<hbm>>
        tpu.wait_dma2 semaphore(%run_scoped3A : memref<!tpu.dma_semaphore, #tpu.memory_space<semaphore_mem>>) src(%dma_wait3A_84 : memref<3200xi32, #tpu.memory_space<hbm>>) dst(%dma_wait3A_83 : memref<3200xi32, #tpu.memory_space<vmem>>)
        tpu.yield
      }) : () -> ()
      %scan3A = arith.constant 0 : i32
      %scan3A_70 = arith.constant 0 : i32
      %scan3A_71 = arith.constant 100 : i32
      %scan3A_72 = arith.addi %scan3A_70, %scan3A_71 : i32
      %scan3A_73 = arith.constant 1 : i32
      scf.for %scan3A_75 = %scan3A_70 to %scan3A_72 step %scan3A_73  : i32 {
        %mul3A_76 = arith.constant 128 : i32
        %mul3A_77 = arith.muli %scan3A_75, %mul3A_76 : i32
        %mul3A_78 = arith.constant 128 : i32
        %mul3A_79 = arith.muli %scan3A_75, %mul3A_78 : i32
        %dma_start3A = tpu.memref_slice %arg10[%mul3A_79] : memref<12800xi32, #tpu.memory_space<vmem>> -> memref<128xi32, #tpu.memory_space<vmem>>
        %dma_start3A_80 = tpu.memref_slice %arg8[%mul3A_77] : memref<12800xi32, #tpu.memory_space<vmem>> -> memref<128xi32, #tpu.memory_space<vmem>>
        %dma_start3A_81 = arith.constant 0 : i32
        %dma_start3A_82 = tpu.memref_slice %arg2[%dma_start3A_81] : memref<100000xi32, #tpu.memory_space<hbm>> -> memref<100000xi32, #tpu.memory_space<hbm>>
        tpu.enqueue_indirect_dma source(%dma_start3A_82 : memref<100000xi32, #tpu.memory_space<hbm>>) target(%dma_start3A : memref<128xi32, #tpu.memory_space<vmem>>) offsets(%dma_start3A_80 : memref<128xi32, #tpu.memory_space<vmem>>) semaphore(%arg15 : memref<!tpu.dma_semaphore, #tpu.memory_space<semaphore_mem>>)
      }
      %scan3A_74 = arith.constant 100 : i32
    } else {
    }
    %lt3A_40 = arith.constant 125 : i32
    %lt3A_41 = arith.cmpi slt, %add3A_32, %lt3A_40 : i32
    %convert_element_type3A_42 = arith.extui %lt3A_41 : i1 to i32
    %cond3A_43 = arith.constant 0 : i32
    %cond3A_44 = arith.cmpi ne, %convert_element_type3A_42, %cond3A_43 : i32
    scf.if %cond3A_44 {
      %dma_wait3A = arith.constant 0 : i32
      %dma_wait3A_54 = tpu.memref_slice %arg3[%dma_wait3A] : memref<1600000xi32, #tpu.memory_space<hbm>> -> memref<12800xi32, #tpu.memory_space<hbm>>
      %dma_wait3A_55 = arith.constant 0 : i32
      %dma_wait3A_56 = tpu.memref_slice %arg3[%dma_wait3A_55] : memref<1600000xi32, #tpu.memory_space<hbm>> -> memref<12800xi32, #tpu.memory_space<hbm>>
      tpu.wait_dma2 semaphore(%arg14 : memref<!tpu.dma_semaphore, #tpu.memory_space<semaphore_mem>>) src(%dma_wait3A_56 : memref<12800xi32, #tpu.memory_space<hbm>>) dst(%arg9 : memref<12800xi32, #tpu.memory_space<vmem>>)
      %scan3A = arith.constant 0 : i32
      %scan3A_57 = arith.constant 0 : i32
      %scan3A_58 = arith.constant 200 : i32
      %scan3A_59 = arith.addi %scan3A_57, %scan3A_58 : i32
      %scan3A_60 = arith.constant 1 : i32
      scf.for %scan3A_68 = %scan3A_57 to %scan3A_59 step %scan3A_60  : i32 {
        %mul3A_69 = arith.constant 16 : i32
        %mul3A_70 = arith.muli %scan3A_68, %mul3A_69 : i32
        %add3A_71 = arith.constant 0 : i32
        %add3A_72 = arith.addi %add3A_71, %mul3A_70 : i32
        %get3A = arith.index_cast %add3A_72 : i32 to index
        %get3A_73 = tpu.vector_load %arg9[%get3A] {strides = array<i32>} : memref<12800xi32, #tpu.memory_space<vmem>>, vector<16xi32>,
        %get3A_74 = vector.shape_cast %get3A_73 : vector<16xi32> to vector<16xi32>
        %shift_left3A = arith.constant 21 : i32
        %shift_left3A_75 = vector.broadcast %shift_left3A : i32 to vector<16xi32>
        %shift_left3A_76 = arith.shli %get3A_74, %shift_left3A_75 : vector<16xi32>
        %shift_right_arithmetic3A = arith.constant 21 : i32
        %shift_right_arithmetic3A_77 = vector.broadcast %shift_right_arithmetic3A : i32 to vector<16xi32>
        %shift_right_arithmetic3A_78 = arith.shrsi %shift_left3A_76, %shift_right_arithmetic3A_77 : vector<16xi32>
        %shift_left3A_79 = arith.constant 10 : i32
        %shift_left3A_80 = vector.broadcast %shift_left3A_79 : i32 to vector<16xi32>
        %shift_left3A_81 = arith.shli %get3A_74, %shift_left3A_80 : vector<16xi32>
        %shift_right_arithmetic3A_82 = arith.constant 21 : i32
        %shift_right_arithmetic3A_83 = vector.broadcast %shift_right_arithmetic3A_82 : i32 to vector<16xi32>
        %shift_right_arithmetic3A_84 = arith.shrsi %shift_left3A_81, %shift_right_arithmetic3A_83 : vector<16xi32>
        %shift_right_arithmetic3A_85 = arith.constant 22 : i32
        %shift_right_arithmetic3A_86 = vector.broadcast %shift_right_arithmetic3A_85 : i32 to vector<16xi32>
        %shift_right_arithmetic3A_87 = arith.shrsi %get3A_74, %shift_right_arithmetic3A_86 : vector<16xi32>
        %add3A_88 = arith.constant 3200 : i32
        %add3A_89 = arith.addi %add3A_88, %mul3A_70 : i32
        %get3A_90 = arith.index_cast %add3A_89 : i32 to index
        %get3A_91 = tpu.vector_load %arg9[%get3A_90] {strides = array<i32>} : memref<12800xi32, #tpu.memory_space<vmem>>, vector<16xi32>,
        %get3A_92 = vector.shape_cast %get3A_91 : vector<16xi32> to vector<16xi32>
        %shift_left3A_93 = arith.constant 21 : i32
        %shift_left3A_94 = vector.broadcast %shift_left3A_93 : i32 to vector<16xi32>
        %shift_left3A_95 = arith.shli %get3A_92, %shift_left3A_94 : vector<16xi32>
        %shift_right_arithmetic3A_96 = arith.constant 21 : i32
        %shift_right_arithmetic3A_97 = vector.broadcast %shift_right_arithmetic3A_96 : i32 to vector<16xi32>
        %shift_right_arithmetic3A_98 = arith.shrsi %shift_left3A_95, %shift_right_arithmetic3A_97 : vector<16xi32>
        %shift_left3A_99 = arith.constant 10 : i32
        %shift_left3A_100 = vector.broadcast %shift_left3A_99 : i32 to vector<16xi32>
        %shift_left3A_101 = arith.shli %get3A_92, %shift_left3A_100 : vector<16xi32>
        %shift_right_arithmetic3A_102 = arith.constant 21 : i32
        %shift_right_arithmetic3A_103 = vector.broadcast %shift_right_arithmetic3A_102 : i32 to vector<16xi32>
        %shift_right_arithmetic3A_104 = arith.shrsi %shift_left3A_101, %shift_right_arithmetic3A_103 : vector<16xi32>
        %shift_right_arithmetic3A_105 = arith.constant 22 : i32
        %shift_right_arithmetic3A_106 = vector.broadcast %shift_right_arithmetic3A_105 : i32 to vector<16xi32>
        %shift_right_arithmetic3A_107 = arith.shrsi %get3A_92, %shift_right_arithmetic3A_106 : vector<16xi32>
        %add3A_108 = arith.constant 6400 : i32
        %add3A_109 = arith.addi %add3A_108, %mul3A_70 : i32
        %get3A_110 = arith.index_cast %add3A_109 : i32 to index
        %get3A_111 = tpu.vector_load %arg9[%get3A_110] {strides = array<i32>} : memref<12800xi32, #tpu.memory_space<vmem>>, vector<16xi32>,
        %get3A_112 = vector.shape_cast %get3A_111 : vector<16xi32> to vector<16xi32>
        %shift_left3A_113 = arith.constant 21 : i32
        %shift_left3A_114 = vector.broadcast %shift_left3A_113 : i32 to vector<16xi32>
        %shift_left3A_115 = arith.shli %get3A_112, %shift_left3A_114 : vector<16xi32>
        %shift_right_arithmetic3A_116 = arith.constant 21 : i32
        %shift_right_arithmetic3A_117 = vector.broadcast %shift_right_arithmetic3A_116 : i32 to vector<16xi32>
        %shift_right_arithmetic3A_118 = arith.shrsi %shift_left3A_115, %shift_right_arithmetic3A_117 : vector<16xi32>
        %shift_left3A_119 = arith.constant 10 : i32
        %shift_left3A_120 = vector.broadcast %shift_left3A_119 : i32 to vector<16xi32>
        %shift_left3A_121 = arith.shli %get3A_112, %shift_left3A_120 : vector<16xi32>
        %shift_right_arithmetic3A_122 = arith.constant 21 : i32
        %shift_right_arithmetic3A_123 = vector.broadcast %shift_right_arithmetic3A_122 : i32 to vector<16xi32>
        %shift_right_arithmetic3A_124 = arith.shrsi %shift_left3A_121, %shift_right_arithmetic3A_123 : vector<16xi32>
        %shift_right_arithmetic3A_125 = arith.constant 22 : i32
        %shift_right_arithmetic3A_126 = vector.broadcast %shift_right_arithmetic3A_125 : i32 to vector<16xi32>
        %shift_right_arithmetic3A_127 = arith.shrsi %get3A_112, %shift_right_arithmetic3A_126 : vector<16xi32>
        %add3A_128 = arith.constant 9600 : i32
        %add3A_129 = arith.addi %add3A_128, %mul3A_70 : i32
        %get3A_130 = arith.index_cast %add3A_129 : i32 to index
        %get3A_131 = tpu.vector_load %arg9[%get3A_130] {strides = array<i32>} : memref<12800xi32, #tpu.memory_space<vmem>>, vector<16xi32>,
        %get3A_132 = vector.shape_cast %get3A_131 : vector<16xi32> to vector<16xi32>
        %shift_left3A_133 = arith.constant 21 : i32
        %shift_left3A_134 = vector.broadcast %shift_left3A_133 : i32 to vector<16xi32>
        %shift_left3A_135 = arith.shli %get3A_132, %shift_left3A_134 : vector<16xi32>
        %shift_right_arithmetic3A_136 = arith.constant 21 : i32
        %shift_right_arithmetic3A_137 = vector.broadcast %shift_right_arithmetic3A_136 : i32 to vector<16xi32>
        %shift_right_arithmetic3A_138 = arith.shrsi %shift_left3A_135, %shift_right_arithmetic3A_137 : vector<16xi32>
        %shift_left3A_139 = arith.constant 10 : i32
        %shift_left3A_140 = vector.broadcast %shift_left3A_139 : i32 to vector<16xi32>
        %shift_left3A_141 = arith.shli %get3A_132, %shift_left3A_140 : vector<16xi32>
        %shift_right_arithmetic3A_142 = arith.constant 21 : i32
        %shift_right_arithmetic3A_143 = vector.broadcast %shift_right_arithmetic3A_142 : i32 to vector<16xi32>
        %shift_right_arithmetic3A_144 = arith.shrsi %shift_left3A_141, %shift_right_arithmetic3A_143 : vector<16xi32>
        %shift_right_arithmetic3A_145 = arith.constant 22 : i32
        %shift_right_arithmetic3A_146 = vector.broadcast %shift_right_arithmetic3A_145 : i32 to vector<16xi32>
        %shift_right_arithmetic3A_147 = arith.shrsi %get3A_132, %shift_right_arithmetic3A_146 : vector<16xi32>
        %sub3A = arith.subi %shift_right_arithmetic3A_98, %shift_right_arithmetic3A_78 : vector<16xi32>
        %sub3A_148 = arith.subi %shift_right_arithmetic3A_104, %shift_right_arithmetic3A_84 : vector<16xi32>
        %sub3A_149 = arith.subi %shift_right_arithmetic3A_107, %shift_right_arithmetic3A_87 : vector<16xi32>
        %sub3A_150 = arith.subi %shift_right_arithmetic3A_118, %shift_right_arithmetic3A_98 : vector<16xi32>
        %sub3A_151 = arith.subi %shift_right_arithmetic3A_124, %shift_right_arithmetic3A_104 : vector<16xi32>
        %sub3A_152 = arith.subi %shift_right_arithmetic3A_127, %shift_right_arithmetic3A_107 : vector<16xi32>
        %sub3A_153 = arith.subi %shift_right_arithmetic3A_138, %shift_right_arithmetic3A_118 : vector<16xi32>
        %sub3A_154 = arith.subi %shift_right_arithmetic3A_144, %shift_right_arithmetic3A_124 : vector<16xi32>
        %sub3A_155 = arith.subi %shift_right_arithmetic3A_147, %shift_right_arithmetic3A_127 : vector<16xi32>
        %mul3A_156 = arith.muli %sub3A_148, %sub3A_152 : vector<16xi32>
        %mul3A_157 = arith.muli %sub3A_149, %sub3A_151 : vector<16xi32>
        %sub3A_158 = arith.subi %mul3A_156, %mul3A_157 : vector<16xi32>
        %mul3A_159 = arith.muli %sub3A_149, %sub3A_150 : vector<16xi32>
        %mul3A_160 = arith.muli %sub3A, %sub3A_152 : vector<16xi32>
        %sub3A_161 = arith.subi %mul3A_159, %mul3A_160 : vector<16xi32>
        %mul3A_162 = arith.muli %sub3A, %sub3A_151 : vector<16xi32>
        %mul3A_163 = arith.muli %sub3A_148, %sub3A_150 : vector<16xi32>
        %sub3A_164 = arith.subi %mul3A_162, %mul3A_163 : vector<16xi32>
        %mul3A_165 = arith.muli %sub3A_151, %sub3A_155 : vector<16xi32>
        %mul3A_166 = arith.muli %sub3A_152, %sub3A_154 : vector<16xi32>
        %sub3A_167 = arith.subi %mul3A_165, %mul3A_166 : vector<16xi32>
        %mul3A_168 = arith.muli %sub3A_152, %sub3A_153 : vector<16xi32>
        %mul3A_169 = arith.muli %sub3A_150, %sub3A_155 : vector<16xi32>
        %sub3A_170 = arith.subi %mul3A_168, %mul3A_169 : vector<16xi32>
        %mul3A_171 = arith.muli %sub3A_150, %sub3A_154 : vector<16xi32>
        %mul3A_172 = arith.muli %sub3A_151, %sub3A_153 : vector<16xi32>
        %sub3A_173 = arith.subi %mul3A_171, %mul3A_172 : vector<16xi32>
        %convert_element_type3A_174 = arith.sitofp %sub3A_158 : vector<16xi32> to vector<16xf32>
        %convert_element_type3A_175 = arith.sitofp %sub3A_161 : vector<16xi32> to vector<16xf32>
        %convert_element_type3A_176 = arith.sitofp %sub3A_164 : vector<16xi32> to vector<16xf32>
        %convert_element_type3A_177 = arith.sitofp %sub3A_167 : vector<16xi32> to vector<16xf32>
        %convert_element_type3A_178 = arith.sitofp %sub3A_170 : vector<16xi32> to vector<16xf32>
        %convert_element_type3A_179 = arith.sitofp %sub3A_173 : vector<16xi32> to vector<16xf32>
        %convert_element_type3A_180 = arith.sitofp %sub3A_153 : vector<16xi32> to vector<16xf32>
        %convert_element_type3A_181 = arith.sitofp %sub3A_154 : vector<16xi32> to vector<16xf32>
        %convert_element_type3A_182 = arith.sitofp %sub3A_155 : vector<16xi32> to vector<16xf32>
        %mul3A_183 = arith.mulf %convert_element_type3A_174, %convert_element_type3A_177 : vector<16xf32>
        %mul3A_184 = arith.mulf %convert_element_type3A_175, %convert_element_type3A_178 : vector<16xf32>
        %add3A_185 = arith.addf %mul3A_183, %mul3A_184 : vector<16xf32>
        %mul3A_186 = arith.mulf %convert_element_type3A_176, %convert_element_type3A_179 : vector<16xf32>
        %add3A_187 = arith.addf %add3A_185, %mul3A_186 : vector<16xf32>
        %mul3A_188 = arith.mulf %convert_element_type3A_174, %convert_element_type3A_174 : vector<16xf32>
        %mul3A_189 = arith.mulf %convert_element_type3A_175, %convert_element_type3A_175 : vector<16xf32>
        %add3A_190 = arith.addf %mul3A_188, %mul3A_189 : vector<16xf32>
        %mul3A_191 = arith.mulf %convert_element_type3A_176, %convert_element_type3A_176 : vector<16xf32>
        %add3A_192 = arith.addf %add3A_190, %mul3A_191 : vector<16xf32>
        %mul3A_193 = arith.mulf %convert_element_type3A_177, %convert_element_type3A_177 : vector<16xf32>
        %mul3A_194 = arith.mulf %convert_element_type3A_178, %convert_element_type3A_178 : vector<16xf32>
        %add3A_195 = arith.addf %mul3A_193, %mul3A_194 : vector<16xf32>
        %mul3A_196 = arith.mulf %convert_element_type3A_179, %convert_element_type3A_179 : vector<16xf32>
        %add3A_197 = arith.addf %add3A_195, %mul3A_196 : vector<16xf32>
        %mul3A_198 = arith.mulf %convert_element_type3A_174, %convert_element_type3A_180 : vector<16xf32>
        %mul3A_199 = arith.mulf %convert_element_type3A_175, %convert_element_type3A_181 : vector<16xf32>
        %add3A_200 = arith.addf %mul3A_198, %mul3A_199 : vector<16xf32>
        %mul3A_201 = arith.mulf %convert_element_type3A_176, %convert_element_type3A_182 : vector<16xf32>
        %add3A_202 = arith.addf %add3A_200, %mul3A_201 : vector<16xf32>
        %swap3A = arith.index_cast %mul3A_70 : i32 to index
        %swap3A_203 = tpu.vector_load %arg11[%swap3A] {strides = array<i32>} : memref<3200xf32, #tpu.memory_space<vmem>>, vector<16xf32>,
        %swap3A_204 = vector.shape_cast %swap3A_203 : vector<16xf32> to vector<16xf32>
        %swap3A_205 = vector.shape_cast %add3A_187 : vector<16xf32> to vector<16xf32>
        tpu.vector_store %arg11[%swap3A], %swap3A_205 {strides = array<i32>} : memref<3200xf32, #tpu.memory_space<vmem>>, vector<16xf32>,
        %mul3A_206 = arith.mulf %add3A_192, %add3A_197 : vector<16xf32>
        %swap3A_207 = arith.index_cast %mul3A_70 : i32 to index
        %swap3A_208 = tpu.vector_load %arg12[%swap3A_207] {strides = array<i32>} : memref<3200xf32, #tpu.memory_space<vmem>>, vector<16xf32>,
        %swap3A_209 = vector.shape_cast %swap3A_208 : vector<16xf32> to vector<16xf32>
        %swap3A_210 = vector.shape_cast %mul3A_206 : vector<16xf32> to vector<16xf32>
        tpu.vector_store %arg12[%swap3A_207], %swap3A_210 {strides = array<i32>} : memref<3200xf32, #tpu.memory_space<vmem>>, vector<16xf32>,
        %swap3A_211 = arith.index_cast %mul3A_70 : i32 to index
        %swap3A_212 = tpu.vector_load %arg13[%swap3A_211] {strides = array<i32>} : memref<3200xf32, #tpu.memory_space<vmem>>, vector<16xf32>,
        %swap3A_213 = vector.shape_cast %swap3A_212 : vector<16xf32> to vector<16xf32>
        %swap3A_214 = vector.shape_cast %add3A_202 : vector<16xf32> to vector<16xf32>
        tpu.vector_store %arg13[%swap3A_211], %swap3A_214 {strides = array<i32>} : memref<3200xf32, #tpu.memory_space<vmem>>, vector<16xf32>,
      }
      %scan3A_61 = arith.constant 200 : i32
      %mul3A_62 = arith.constant 3200 : i32
      %mul3A_63 = arith.muli %add3A_32, %mul3A_62 : i32
      "tpu.region"() ({
        %run_scoped3A = tpu.sem_alloc : memref<!tpu.dma_semaphore, #tpu.memory_space<semaphore_mem>>
        %dma_start3A = tpu.memref_slice %arg4[%mul3A_63] : memref<400000xf32, #tpu.memory_space<hbm>> -> memref<3200xf32, #tpu.memory_space<hbm>>
        %dma_start3A_68 = tpu.memref_slice %arg4[%mul3A_63] : memref<400000xf32, #tpu.memory_space<hbm>> -> memref<3200xf32, #tpu.memory_space<hbm>>
        tpu.enqueue_dma source(%arg11 : memref<3200xf32, #tpu.memory_space<vmem>>) target(%dma_start3A_68 : memref<3200xf32, #tpu.memory_space<hbm>>) target_semaphore(%run_scoped3A : memref<!tpu.dma_semaphore, #tpu.memory_space<semaphore_mem>>)
        %dma_wait3A_69 = tpu.memref_slice %arg4[%mul3A_63] : memref<400000xf32, #tpu.memory_space<hbm>> -> memref<3200xf32, #tpu.memory_space<hbm>>
        %dma_wait3A_70 = tpu.memref_slice %arg4[%mul3A_63] : memref<400000xf32, #tpu.memory_space<hbm>> -> memref<3200xf32, #tpu.memory_space<hbm>>
        tpu.wait_dma2 semaphore(%run_scoped3A : memref<!tpu.dma_semaphore, #tpu.memory_space<semaphore_mem>>) src(%arg11 : memref<3200xf32, #tpu.memory_space<vmem>>) dst(%dma_wait3A_70 : memref<3200xf32, #tpu.memory_space<hbm>>)
        tpu.yield
      }) : () -> ()
      %mul3A_64 = arith.constant 3200 : i32
      %mul3A_65 = arith.muli %add3A_32, %mul3A_64 : i32
      "tpu.region"() ({
        %run_scoped3A = tpu.sem_alloc : memref<!tpu.dma_semaphore, #tpu.memory_space<semaphore_mem>>
        %dma_start3A = tpu.memref_slice %arg5[%mul3A_65] : memref<400000xf32, #tpu.memory_space<hbm>> -> memref<3200xf32, #tpu.memory_space<hbm>>
        %dma_start3A_68 = tpu.memref_slice %arg5[%mul3A_65] : memref<400000xf32, #tpu.memory_space<hbm>> -> memref<3200xf32, #tpu.memory_space<hbm>>
        tpu.enqueue_dma source(%arg12 : memref<3200xf32, #tpu.memory_space<vmem>>) target(%dma_start3A_68 : memref<3200xf32, #tpu.memory_space<hbm>>) target_semaphore(%run_scoped3A : memref<!tpu.dma_semaphore, #tpu.memory_space<semaphore_mem>>)
        %dma_wait3A_69 = tpu.memref_slice %arg5[%mul3A_65] : memref<400000xf32, #tpu.memory_space<hbm>> -> memref<3200xf32, #tpu.memory_space<hbm>>
        %dma_wait3A_70 = tpu.memref_slice %arg5[%mul3A_65] : memref<400000xf32, #tpu.memory_space<hbm>> -> memref<3200xf32, #tpu.memory_space<hbm>>
        tpu.wait_dma2 semaphore(%run_scoped3A : memref<!tpu.dma_semaphore, #tpu.memory_space<semaphore_mem>>) src(%arg12 : memref<3200xf32, #tpu.memory_space<vmem>>) dst(%dma_wait3A_70 : memref<3200xf32, #tpu.memory_space<hbm>>)
        tpu.yield
      }) : () -> ()
      %mul3A_66 = arith.constant 3200 : i32
      %mul3A_67 = arith.muli %add3A_32, %mul3A_66 : i32
      "tpu.region"() ({
        %run_scoped3A = tpu.sem_alloc : memref<!tpu.dma_semaphore, #tpu.memory_space<semaphore_mem>>
        %dma_start3A = tpu.memref_slice %arg6[%mul3A_67] : memref<400000xf32, #tpu.memory_space<hbm>> -> memref<3200xf32, #tpu.memory_space<hbm>>
        %dma_start3A_68 = tpu.memref_slice %arg6[%mul3A_67] : memref<400000xf32, #tpu.memory_space<hbm>> -> memref<3200xf32, #tpu.memory_space<hbm>>
        tpu.enqueue_dma source(%arg13 : memref<3200xf32, #tpu.memory_space<vmem>>) target(%dma_start3A_68 : memref<3200xf32, #tpu.memory_space<hbm>>) target_semaphore(%run_scoped3A : memref<!tpu.dma_semaphore, #tpu.memory_space<semaphore_mem>>)
        %dma_wait3A_69 = tpu.memref_slice %arg6[%mul3A_67] : memref<400000xf32, #tpu.memory_space<hbm>> -> memref<3200xf32, #tpu.memory_space<hbm>>
        %dma_wait3A_70 = tpu.memref_slice %arg6[%mul3A_67] : memref<400000xf32, #tpu.memory_space<hbm>> -> memref<3200xf32, #tpu.memory_space<hbm>>
        tpu.wait_dma2 semaphore(%run_scoped3A : memref<!tpu.dma_semaphore, #tpu.memory_space<semaphore_mem>>) src(%arg13 : memref<3200xf32, #tpu.memory_space<vmem>>) dst(%dma_wait3A_70 : memref<3200xf32, #tpu.memory_space<hbm>>)
        tpu.yield
      }) : () -> ()
    } else {
    }
    %add3A_45 = arith.constant 96 : i32
    %add3A_46 = arith.addi %add3A, %add3A_45 : i32
    %add3A_47 = arith.constant 128 : i32
    %add3A_48 = arith.addi %add3A, %add3A_47 : i32
    %lt3A_49 = arith.constant 125 : i32
    %lt3A_50 = arith.cmpi slt, %add3A_46, %lt3A_49 : i32
    %convert_element_type3A_51 = arith.extui %lt3A_50 : i1 to i32
    %cond3A_52 = arith.constant 0 : i32
    %cond3A_53 = arith.cmpi ne, %convert_element_type3A_51, %cond3A_52 : i32
    scf.if %cond3A_53 {
      %dma_wait3A = arith.constant 0 : i32
      %dma_wait3A_54 = tpu.memref_slice %arg3[%dma_wait3A] : memref<1600000xi32, #tpu.memory_space<hbm>> -> memref<12800xi32, #tpu.memory_space<hbm>>
      %dma_wait3A_55 = arith.constant 0 : i32
      %dma_wait3A_56 = tpu.memref_slice %arg3[%dma_wait3A_55] : memref<1600000xi32, #tpu.memory_space<hbm>> -> memref<12800xi32, #tpu.memory_space<hbm>>
      tpu.wait_dma2 semaphore(%arg15 : memref<!tpu.dma_semaphore, #tpu.memory_space<semaphore_mem>>) src(%dma_wait3A_56 : memref<12800xi32, #tpu.memory_space<hbm>>) dst(%arg10 : memref<12800xi32, #tpu.memory_space<vmem>>)
      %scan3A = arith.constant 0 : i32
      %scan3A_57 = arith.constant 0 : i32
      %scan3A_58 = arith.constant 200 : i32
      %scan3A_59 = arith.addi %scan3A_57, %scan3A_58 : i32
      %scan3A_60 = arith.constant 1 : i32
      scf.for %scan3A_68 = %scan3A_57 to %scan3A_59 step %scan3A_60  : i32 {
        %mul3A_69 = arith.constant 16 : i32
        %mul3A_70 = arith.muli %scan3A_68, %mul3A_69 : i32
        %add3A_71 = arith.constant 0 : i32
        %add3A_72 = arith.addi %add3A_71, %mul3A_70 : i32
        %get3A = arith.index_cast %add3A_72 : i32 to index
        %get3A_73 = tpu.vector_load %arg10[%get3A] {strides = array<i32>} : memref<12800xi32, #tpu.memory_space<vmem>>, vector<16xi32>,
        %get3A_74 = vector.shape_cast %get3A_73 : vector<16xi32> to vector<16xi32>
        %shift_left3A = arith.constant 21 : i32
        %shift_left3A_75 = vector.broadcast %shift_left3A : i32 to vector<16xi32>
        %shift_left3A_76 = arith.shli %get3A_74, %shift_left3A_75 : vector<16xi32>
        %shift_right_arithmetic3A = arith.constant 21 : i32
        %shift_right_arithmetic3A_77 = vector.broadcast %shift_right_arithmetic3A : i32 to vector<16xi32>
        %shift_right_arithmetic3A_78 = arith.shrsi %shift_left3A_76, %shift_right_arithmetic3A_77 : vector<16xi32>
        %shift_left3A_79 = arith.constant 10 : i32
        %shift_left3A_80 = vector.broadcast %shift_left3A_79 : i32 to vector<16xi32>
        %shift_left3A_81 = arith.shli %get3A_74, %shift_left3A_80 : vector<16xi32>
        %shift_right_arithmetic3A_82 = arith.constant 21 : i32
        %shift_right_arithmetic3A_83 = vector.broadcast %shift_right_arithmetic3A_82 : i32 to vector<16xi32>
        %shift_right_arithmetic3A_84 = arith.shrsi %shift_left3A_81, %shift_right_arithmetic3A_83 : vector<16xi32>
        %shift_right_arithmetic3A_85 = arith.constant 22 : i32
        %shift_right_arithmetic3A_86 = vector.broadcast %shift_right_arithmetic3A_85 : i32 to vector<16xi32>
        %shift_right_arithmetic3A_87 = arith.shrsi %get3A_74, %shift_right_arithmetic3A_86 : vector<16xi32>
        %add3A_88 = arith.constant 3200 : i32
        %add3A_89 = arith.addi %add3A_88, %mul3A_70 : i32
        %get3A_90 = arith.index_cast %add3A_89 : i32 to index
        %get3A_91 = tpu.vector_load %arg10[%get3A_90] {strides = array<i32>} : memref<12800xi32, #tpu.memory_space<vmem>>, vector<16xi32>,
        %get3A_92 = vector.shape_cast %get3A_91 : vector<16xi32> to vector<16xi32>
        %shift_left3A_93 = arith.constant 21 : i32
        %shift_left3A_94 = vector.broadcast %shift_left3A_93 : i32 to vector<16xi32>
        %shift_left3A_95 = arith.shli %get3A_92, %shift_left3A_94 : vector<16xi32>
        %shift_right_arithmetic3A_96 = arith.constant 21 : i32
        %shift_right_arithmetic3A_97 = vector.broadcast %shift_right_arithmetic3A_96 : i32 to vector<16xi32>
        %shift_right_arithmetic3A_98 = arith.shrsi %shift_left3A_95, %shift_right_arithmetic3A_97 : vector<16xi32>
        %shift_left3A_99 = arith.constant 10 : i32
        %shift_left3A_100 = vector.broadcast %shift_left3A_99 : i32 to vector<16xi32>
        %shift_left3A_101 = arith.shli %get3A_92, %shift_left3A_100 : vector<16xi32>
        %shift_right_arithmetic3A_102 = arith.constant 21 : i32
        %shift_right_arithmetic3A_103 = vector.broadcast %shift_right_arithmetic3A_102 : i32 to vector<16xi32>
        %shift_right_arithmetic3A_104 = arith.shrsi %shift_left3A_101, %shift_right_arithmetic3A_103 : vector<16xi32>
        %shift_right_arithmetic3A_105 = arith.constant 22 : i32
        %shift_right_arithmetic3A_106 = vector.broadcast %shift_right_arithmetic3A_105 : i32 to vector<16xi32>
        %shift_right_arithmetic3A_107 = arith.shrsi %get3A_92, %shift_right_arithmetic3A_106 : vector<16xi32>
        %add3A_108 = arith.constant 6400 : i32
        %add3A_109 = arith.addi %add3A_108, %mul3A_70 : i32
        %get3A_110 = arith.index_cast %add3A_109 : i32 to index
        %get3A_111 = tpu.vector_load %arg10[%get3A_110] {strides = array<i32>} : memref<12800xi32, #tpu.memory_space<vmem>>, vector<16xi32>,
        %get3A_112 = vector.shape_cast %get3A_111 : vector<16xi32> to vector<16xi32>
        %shift_left3A_113 = arith.constant 21 : i32
        %shift_left3A_114 = vector.broadcast %shift_left3A_113 : i32 to vector<16xi32>
        %shift_left3A_115 = arith.shli %get3A_112, %shift_left3A_114 : vector<16xi32>
        %shift_right_arithmetic3A_116 = arith.constant 21 : i32
        %shift_right_arithmetic3A_117 = vector.broadcast %shift_right_arithmetic3A_116 : i32 to vector<16xi32>
        %shift_right_arithmetic3A_118 = arith.shrsi %shift_left3A_115, %shift_right_arithmetic3A_117 : vector<16xi32>
        %shift_left3A_119 = arith.constant 10 : i32
        %shift_left3A_120 = vector.broadcast %shift_left3A_119 : i32 to vector<16xi32>
        %shift_left3A_121 = arith.shli %get3A_112, %shift_left3A_120 : vector<16xi32>
        %shift_right_arithmetic3A_122 = arith.constant 21 : i32
        %shift_right_arithmetic3A_123 = vector.broadcast %shift_right_arithmetic3A_122 : i32 to vector<16xi32>
        %shift_right_arithmetic3A_124 = arith.shrsi %shift_left3A_121, %shift_right_arithmetic3A_123 : vector<16xi32>
        %shift_right_arithmetic3A_125 = arith.constant 22 : i32
        %shift_right_arithmetic3A_126 = vector.broadcast %shift_right_arithmetic3A_125 : i32 to vector<16xi32>
        %shift_right_arithmetic3A_127 = arith.shrsi %get3A_112, %shift_right_arithmetic3A_126 : vector<16xi32>
        %add3A_128 = arith.constant 9600 : i32
        %add3A_129 = arith.addi %add3A_128, %mul3A_70 : i32
        %get3A_130 = arith.index_cast %add3A_129 : i32 to index
        %get3A_131 = tpu.vector_load %arg10[%get3A_130] {strides = array<i32>} : memref<12800xi32, #tpu.memory_space<vmem>>, vector<16xi32>,
        %get3A_132 = vector.shape_cast %get3A_131 : vector<16xi32> to vector<16xi32>
        %shift_left3A_133 = arith.constant 21 : i32
        %shift_left3A_134 = vector.broadcast %shift_left3A_133 : i32 to vector<16xi32>
        %shift_left3A_135 = arith.shli %get3A_132, %shift_left3A_134 : vector<16xi32>
        %shift_right_arithmetic3A_136 = arith.constant 21 : i32
        %shift_right_arithmetic3A_137 = vector.broadcast %shift_right_arithmetic3A_136 : i32 to vector<16xi32>
        %shift_right_arithmetic3A_138 = arith.shrsi %shift_left3A_135, %shift_right_arithmetic3A_137 : vector<16xi32>
        %shift_left3A_139 = arith.constant 10 : i32
        %shift_left3A_140 = vector.broadcast %shift_left3A_139 : i32 to vector<16xi32>
        %shift_left3A_141 = arith.shli %get3A_132, %shift_left3A_140 : vector<16xi32>
        %shift_right_arithmetic3A_142 = arith.constant 21 : i32
        %shift_right_arithmetic3A_143 = vector.broadcast %shift_right_arithmetic3A_142 : i32 to vector<16xi32>
        %shift_right_arithmetic3A_144 = arith.shrsi %shift_left3A_141, %shift_right_arithmetic3A_143 : vector<16xi32>
        %shift_right_arithmetic3A_145 = arith.constant 22 : i32
        %shift_right_arithmetic3A_146 = vector.broadcast %shift_right_arithmetic3A_145 : i32 to vector<16xi32>
        %shift_right_arithmetic3A_147 = arith.shrsi %get3A_132, %shift_right_arithmetic3A_146 : vector<16xi32>
        %sub3A = arith.subi %shift_right_arithmetic3A_98, %shift_right_arithmetic3A_78 : vector<16xi32>
        %sub3A_148 = arith.subi %shift_right_arithmetic3A_104, %shift_right_arithmetic3A_84 : vector<16xi32>
        %sub3A_149 = arith.subi %shift_right_arithmetic3A_107, %shift_right_arithmetic3A_87 : vector<16xi32>
        %sub3A_150 = arith.subi %shift_right_arithmetic3A_118, %shift_right_arithmetic3A_98 : vector<16xi32>
        %sub3A_151 = arith.subi %shift_right_arithmetic3A_124, %shift_right_arithmetic3A_104 : vector<16xi32>
        %sub3A_152 = arith.subi %shift_right_arithmetic3A_127, %shift_right_arithmetic3A_107 : vector<16xi32>
        %sub3A_153 = arith.subi %shift_right_arithmetic3A_138, %shift_right_arithmetic3A_118 : vector<16xi32>
        %sub3A_154 = arith.subi %shift_right_arithmetic3A_144, %shift_right_arithmetic3A_124 : vector<16xi32>
        %sub3A_155 = arith.subi %shift_right_arithmetic3A_147, %shift_right_arithmetic3A_127 : vector<16xi32>
        %mul3A_156 = arith.muli %sub3A_148, %sub3A_152 : vector<16xi32>
        %mul3A_157 = arith.muli %sub3A_149, %sub3A_151 : vector<16xi32>
        %sub3A_158 = arith.subi %mul3A_156, %mul3A_157 : vector<16xi32>
        %mul3A_159 = arith.muli %sub3A_149, %sub3A_150 : vector<16xi32>
        %mul3A_160 = arith.muli %sub3A, %sub3A_152 : vector<16xi32>
        %sub3A_161 = arith.subi %mul3A_159, %mul3A_160 : vector<16xi32>
        %mul3A_162 = arith.muli %sub3A, %sub3A_151 : vector<16xi32>
        %mul3A_163 = arith.muli %sub3A_148, %sub3A_150 : vector<16xi32>
        %sub3A_164 = arith.subi %mul3A_162, %mul3A_163 : vector<16xi32>
        %mul3A_165 = arith.muli %sub3A_151, %sub3A_155 : vector<16xi32>
        %mul3A_166 = arith.muli %sub3A_152, %sub3A_154 : vector<16xi32>
        %sub3A_167 = arith.subi %mul3A_165, %mul3A_166 : vector<16xi32>
        %mul3A_168 = arith.muli %sub3A_152, %sub3A_153 : vector<16xi32>
        %mul3A_169 = arith.muli %sub3A_150, %sub3A_155 : vector<16xi32>
        %sub3A_170 = arith.subi %mul3A_168, %mul3A_169 : vector<16xi32>
        %mul3A_171 = arith.muli %sub3A_150, %sub3A_154 : vector<16xi32>
        %mul3A_172 = arith.muli %sub3A_151, %sub3A_153 : vector<16xi32>
        %sub3A_173 = arith.subi %mul3A_171, %mul3A_172 : vector<16xi32>
        %convert_element_type3A_174 = arith.sitofp %sub3A_158 : vector<16xi32> to vector<16xf32>
        %convert_element_type3A_175 = arith.sitofp %sub3A_161 : vector<16xi32> to vector<16xf32>
        %convert_element_type3A_176 = arith.sitofp %sub3A_164 : vector<16xi32> to vector<16xf32>
        %convert_element_type3A_177 = arith.sitofp %sub3A_167 : vector<16xi32> to vector<16xf32>
        %convert_element_type3A_178 = arith.sitofp %sub3A_170 : vector<16xi32> to vector<16xf32>
        %convert_element_type3A_179 = arith.sitofp %sub3A_173 : vector<16xi32> to vector<16xf32>
        %convert_element_type3A_180 = arith.sitofp %sub3A_153 : vector<16xi32> to vector<16xf32>
        %convert_element_type3A_181 = arith.sitofp %sub3A_154 : vector<16xi32> to vector<16xf32>
        %convert_element_type3A_182 = arith.sitofp %sub3A_155 : vector<16xi32> to vector<16xf32>
        %mul3A_183 = arith.mulf %convert_element_type3A_174, %convert_element_type3A_177 : vector<16xf32>
        %mul3A_184 = arith.mulf %convert_element_type3A_175, %convert_element_type3A_178 : vector<16xf32>
        %add3A_185 = arith.addf %mul3A_183, %mul3A_184 : vector<16xf32>
        %mul3A_186 = arith.mulf %convert_element_type3A_176, %convert_element_type3A_179 : vector<16xf32>
        %add3A_187 = arith.addf %add3A_185, %mul3A_186 : vector<16xf32>
        %mul3A_188 = arith.mulf %convert_element_type3A_174, %convert_element_type3A_174 : vector<16xf32>
        %mul3A_189 = arith.mulf %convert_element_type3A_175, %convert_element_type3A_175 : vector<16xf32>
        %add3A_190 = arith.addf %mul3A_188, %mul3A_189 : vector<16xf32>
        %mul3A_191 = arith.mulf %convert_element_type3A_176, %convert_element_type3A_176 : vector<16xf32>
        %add3A_192 = arith.addf %add3A_190, %mul3A_191 : vector<16xf32>
        %mul3A_193 = arith.mulf %convert_element_type3A_177, %convert_element_type3A_177 : vector<16xf32>
        %mul3A_194 = arith.mulf %convert_element_type3A_178, %convert_element_type3A_178 : vector<16xf32>
        %add3A_195 = arith.addf %mul3A_193, %mul3A_194 : vector<16xf32>
        %mul3A_196 = arith.mulf %convert_element_type3A_179, %convert_element_type3A_179 : vector<16xf32>
        %add3A_197 = arith.addf %add3A_195, %mul3A_196 : vector<16xf32>
        %mul3A_198 = arith.mulf %convert_element_type3A_174, %convert_element_type3A_180 : vector<16xf32>
        %mul3A_199 = arith.mulf %convert_element_type3A_175, %convert_element_type3A_181 : vector<16xf32>
        %add3A_200 = arith.addf %mul3A_198, %mul3A_199 : vector<16xf32>
        %mul3A_201 = arith.mulf %convert_element_type3A_176, %convert_element_type3A_182 : vector<16xf32>
        %add3A_202 = arith.addf %add3A_200, %mul3A_201 : vector<16xf32>
        %swap3A = arith.index_cast %mul3A_70 : i32 to index
        %swap3A_203 = tpu.vector_load %arg11[%swap3A] {strides = array<i32>} : memref<3200xf32, #tpu.memory_space<vmem>>, vector<16xf32>,
        %swap3A_204 = vector.shape_cast %swap3A_203 : vector<16xf32> to vector<16xf32>
        %swap3A_205 = vector.shape_cast %add3A_187 : vector<16xf32> to vector<16xf32>
        tpu.vector_store %arg11[%swap3A], %swap3A_205 {strides = array<i32>} : memref<3200xf32, #tpu.memory_space<vmem>>, vector<16xf32>,
        %mul3A_206 = arith.mulf %add3A_192, %add3A_197 : vector<16xf32>
        %swap3A_207 = arith.index_cast %mul3A_70 : i32 to index
        %swap3A_208 = tpu.vector_load %arg12[%swap3A_207] {strides = array<i32>} : memref<3200xf32, #tpu.memory_space<vmem>>, vector<16xf32>,
        %swap3A_209 = vector.shape_cast %swap3A_208 : vector<16xf32> to vector<16xf32>
        %swap3A_210 = vector.shape_cast %mul3A_206 : vector<16xf32> to vector<16xf32>
        tpu.vector_store %arg12[%swap3A_207], %swap3A_210 {strides = array<i32>} : memref<3200xf32, #tpu.memory_space<vmem>>, vector<16xf32>,
        %swap3A_211 = arith.index_cast %mul3A_70 : i32 to index
        %swap3A_212 = tpu.vector_load %arg13[%swap3A_211] {strides = array<i32>} : memref<3200xf32, #tpu.memory_space<vmem>>, vector<16xf32>,
        %swap3A_213 = vector.shape_cast %swap3A_212 : vector<16xf32> to vector<16xf32>
        %swap3A_214 = vector.shape_cast %add3A_202 : vector<16xf32> to vector<16xf32>
        tpu.vector_store %arg13[%swap3A_211], %swap3A_214 {strides = array<i32>} : memref<3200xf32, #tpu.memory_space<vmem>>, vector<16xf32>,
      }
      %scan3A_61 = arith.constant 200 : i32
      %mul3A_62 = arith.constant 3200 : i32
      %mul3A_63 = arith.muli %add3A_46, %mul3A_62 : i32
      "tpu.region"() ({
        %run_scoped3A = tpu.sem_alloc : memref<!tpu.dma_semaphore, #tpu.memory_space<semaphore_mem>>
        %dma_start3A = tpu.memref_slice %arg4[%mul3A_63] : memref<400000xf32, #tpu.memory_space<hbm>> -> memref<3200xf32, #tpu.memory_space<hbm>>
        %dma_start3A_68 = tpu.memref_slice %arg4[%mul3A_63] : memref<400000xf32, #tpu.memory_space<hbm>> -> memref<3200xf32, #tpu.memory_space<hbm>>
        tpu.enqueue_dma source(%arg11 : memref<3200xf32, #tpu.memory_space<vmem>>) target(%dma_start3A_68 : memref<3200xf32, #tpu.memory_space<hbm>>) target_semaphore(%run_scoped3A : memref<!tpu.dma_semaphore, #tpu.memory_space<semaphore_mem>>)
        %dma_wait3A_69 = tpu.memref_slice %arg4[%mul3A_63] : memref<400000xf32, #tpu.memory_space<hbm>> -> memref<3200xf32, #tpu.memory_space<hbm>>
        %dma_wait3A_70 = tpu.memref_slice %arg4[%mul3A_63] : memref<400000xf32, #tpu.memory_space<hbm>> -> memref<3200xf32, #tpu.memory_space<hbm>>
        tpu.wait_dma2 semaphore(%run_scoped3A : memref<!tpu.dma_semaphore, #tpu.memory_space<semaphore_mem>>) src(%arg11 : memref<3200xf32, #tpu.memory_space<vmem>>) dst(%dma_wait3A_70 : memref<3200xf32, #tpu.memory_space<hbm>>)
        tpu.yield
      }) : () -> ()
      %mul3A_64 = arith.constant 3200 : i32
      %mul3A_65 = arith.muli %add3A_46, %mul3A_64 : i32
      "tpu.region"() ({
        %run_scoped3A = tpu.sem_alloc : memref<!tpu.dma_semaphore, #tpu.memory_space<semaphore_mem>>
        %dma_start3A = tpu.memref_slice %arg5[%mul3A_65] : memref<400000xf32, #tpu.memory_space<hbm>> -> memref<3200xf32, #tpu.memory_space<hbm>>
        %dma_start3A_68 = tpu.memref_slice %arg5[%mul3A_65] : memref<400000xf32, #tpu.memory_space<hbm>> -> memref<3200xf32, #tpu.memory_space<hbm>>
        tpu.enqueue_dma source(%arg12 : memref<3200xf32, #tpu.memory_space<vmem>>) target(%dma_start3A_68 : memref<3200xf32, #tpu.memory_space<hbm>>) target_semaphore(%run_scoped3A : memref<!tpu.dma_semaphore, #tpu.memory_space<semaphore_mem>>)
        %dma_wait3A_69 = tpu.memref_slice %arg5[%mul3A_65] : memref<400000xf32, #tpu.memory_space<hbm>> -> memref<3200xf32, #tpu.memory_space<hbm>>
        %dma_wait3A_70 = tpu.memref_slice %arg5[%mul3A_65] : memref<400000xf32, #tpu.memory_space<hbm>> -> memref<3200xf32, #tpu.memory_space<hbm>>
        tpu.wait_dma2 semaphore(%run_scoped3A : memref<!tpu.dma_semaphore, #tpu.memory_space<semaphore_mem>>) src(%arg12 : memref<3200xf32, #tpu.memory_space<vmem>>) dst(%dma_wait3A_70 : memref<3200xf32, #tpu.memory_space<hbm>>)
        tpu.yield
      }) : () -> ()
      %mul3A_66 = arith.constant 3200 : i32
      %mul3A_67 = arith.muli %add3A_46, %mul3A_66 : i32
      "tpu.region"() ({
        %run_scoped3A = tpu.sem_alloc : memref<!tpu.dma_semaphore, #tpu.memory_space<semaphore_mem>>
        %dma_start3A = tpu.memref_slice %arg6[%mul3A_67] : memref<400000xf32, #tpu.memory_space<hbm>> -> memref<3200xf32, #tpu.memory_space<hbm>>
        %dma_start3A_68 = tpu.memref_slice %arg6[%mul3A_67] : memref<400000xf32, #tpu.memory_space<hbm>> -> memref<3200xf32, #tpu.memory_space<hbm>>
        tpu.enqueue_dma source(%arg13 : memref<3200xf32, #tpu.memory_space<vmem>>) target(%dma_start3A_68 : memref<3200xf32, #tpu.memory_space<hbm>>) target_semaphore(%run_scoped3A : memref<!tpu.dma_semaphore, #tpu.memory_space<semaphore_mem>>)
        %dma_wait3A_69 = tpu.memref_slice %arg6[%mul3A_67] : memref<400000xf32, #tpu.memory_space<hbm>> -> memref<3200xf32, #tpu.memory_space<hbm>>
        %dma_wait3A_70 = tpu.memref_slice %arg6[%mul3A_67] : memref<400000xf32, #tpu.memory_space<hbm>> -> memref<3200xf32, #tpu.memory_space<hbm>>
        tpu.wait_dma2 semaphore(%run_scoped3A : memref<!tpu.dma_semaphore, #tpu.memory_space<semaphore_mem>>) src(%arg13 : memref<3200xf32, #tpu.memory_space<vmem>>) dst(%dma_wait3A_70 : memref<3200xf32, #tpu.memory_space<hbm>>)
        tpu.yield
      }) : () -> ()
    } else {
    }
    return
  }
}

module attributes {stable_mosaic.version = 14 : i64} {
  func.func @_tc_body(%arg0: memref<3125x128xf32, #tpu.memory_space<vmem>>, %arg1: memref<3125x128xf32, #tpu.memory_space<vmem>>, %arg2: memref<3125x128xf32, #tpu.memory_space<vmem>>, %arg3: memref<3125x128xf32, #tpu.memory_space<vmem>>, %arg4: memref<3125x128xf32, #tpu.memory_space<vmem>>, %arg5: memref<3125x128xf32, #tpu.memory_space<vmem>>, %arg6: memref<1x1xf32, #tpu.memory_space<smem>>) attributes {dimension_semantics = [], scalar_prefetch = 0 : i64, scratch_operands = 0 : i64, tpu.core_type = #tpu.core_type<tc>} {
    %get3A = arith.constant 0 : index
    %get3A_0 = arith.constant 0 : index
    %get3A_1 = vector.load %arg1[%get3A, %get3A_0] : memref<3125x128xf32, #tpu.memory_space<vmem>>, vector<3125x128xf32>
    %rsqrt3A = math.rsqrt %get3A_1 : vector<3125x128xf32>
    %get3A_2 = arith.constant 0 : index
    %get3A_3 = arith.constant 0 : index
    %get3A_4 = vector.load %arg0[%get3A_2, %get3A_3] : memref<3125x128xf32, #tpu.memory_space<vmem>>, vector<3125x128xf32>
    %mul3A = arith.mulf %get3A_4, %rsqrt3A : vector<3125x128xf32>
    %jit3A = arith.constant -1.000000e+00 : f32
    %jit3A_5 = arith.constant 1.000000e+00 : f32
    %max3A = vector.broadcast %jit3A : f32 to vector<3125x128xf32>
    %max3A_6 = arith.maximumf %max3A, %mul3A : vector<3125x128xf32>
    %min3A = vector.broadcast %jit3A_5 : f32 to vector<3125x128xf32>
    %min3A_7 = arith.minimumf %min3A, %max3A_6 : vector<3125x128xf32>
    %sub3A = arith.constant 1.000000e+00 : f32
    %sub3A_8 = vector.broadcast %sub3A : f32 to vector<3125x128xf32>
    %sub3A_9 = arith.subf %sub3A_8, %min3A_7 : vector<3125x128xf32>
    %add3A = arith.constant 1.000000e+00 : f32
    %add3A_10 = vector.broadcast %add3A : f32 to vector<3125x128xf32>
    %add3A_11 = arith.addf %add3A_10, %min3A_7 : vector<3125x128xf32>
    %mul3A_12 = arith.mulf %sub3A_9, %add3A_11 : vector<3125x128xf32>
    %sqrt3A = math.sqrt %mul3A_12 : vector<3125x128xf32>
    %atan23A = math.atan2 %sqrt3A, %min3A_7 : vector<3125x128xf32>
    %get3A_13 = arith.constant 0 : index
    %get3A_14 = arith.constant 0 : index
    %get3A_15 = vector.load %arg2[%get3A_13, %get3A_14] : memref<3125x128xf32, #tpu.memory_space<vmem>>, vector<3125x128xf32>
    %sign3A = tpu.bitcast %get3A_15 : vector<3125x128xf32> -> vector<3125x128xi32>
    %sign3A_16 = arith.constant -2147483648 : i32
    %sign3A_17 = vector.broadcast %sign3A_16 : i32 to vector<3125x128xi32>
    %sign3A_18 = arith.andi %sign3A, %sign3A_17 : vector<3125x128xi32>
    %sign3A_19 = arith.constant 1065353216 : i32
    %sign3A_20 = vector.broadcast %sign3A_19 : i32 to vector<3125x128xi32>
    %sign3A_21 = arith.ori %sign3A_20, %sign3A_18 : vector<3125x128xi32>
    %sign3A_22 = tpu.bitcast %sign3A_21 : vector<3125x128xi32> -> vector<3125x128xf32>
    %sign3A_23 = math.absf %get3A_15 : vector<3125x128xf32>
    %sign3A_24 = arith.constant 0.000000e+00 : f32
    %sign3A_25 = vector.broadcast %sign3A_24 : f32 to vector<3125x128xf32>
    %sign3A_26 = arith.cmpf ogt, %sign3A_23, %sign3A_25 : vector<3125x128xf32>
    %sign3A_27 = arith.select %sign3A_26, %sign3A_22, %get3A_15 : vector<3125x128xi1>, vector<3125x128xf32>
    %mul3A_28 = arith.mulf %atan23A, %sign3A_27 : vector<3125x128xf32>
    %get3A_29 = arith.constant 0 : index
    %get3A_30 = arith.constant 0 : index
    %get3A_31 = vector.load %arg3[%get3A_29, %get3A_30] : memref<3125x128xf32, #tpu.memory_space<vmem>>, vector<3125x128xf32>
    %get3A_32 = arith.constant 0 : index
    %get3A_33 = arith.constant 0 : index
    %get3A_34 = vector.load %arg4[%get3A_32, %get3A_33] : memref<3125x128xf32, #tpu.memory_space<vmem>>, vector<3125x128xf32>
    %mul3A_35 = arith.mulf %get3A_34, %mul3A_28 : vector<3125x128xf32>
    %get3A_36 = arith.constant 0 : index
    %get3A_37 = arith.constant 0 : index
    %get3A_38 = vector.load %arg5[%get3A_36, %get3A_37] : memref<3125x128xf32, #tpu.memory_space<vmem>>, vector<3125x128xf32>
    %sub3A_39 = arith.subf %mul3A_35, %get3A_38 : vector<3125x128xf32>
    %cos3A = math.cos %sub3A_39 : vector<3125x128xf32>
    %add3A_40 = arith.constant 1.000000e+00 : f32
    %add3A_41 = vector.broadcast %add3A_40 : f32 to vector<3125x128xf32>
    %add3A_42 = arith.addf %add3A_41, %cos3A : vector<3125x128xf32>
    %mul3A_43 = arith.mulf %get3A_31, %add3A_42 : vector<3125x128xf32>
    %reduce_sum3A = vector.shape_cast %mul3A_43 : vector<3125x128xf32> to vector<1x3125x128xf32>
    %reduce_sum3A_44 = arith.constant dense<0.000000e+00> : vector<1xf32>
    %reduce_sum3A_45 = vector.multi_reduction <add>, %reduce_sum3A, %reduce_sum3A_44 [1, 2] : vector<1x3125x128xf32> to vector<1xf32>
    %reduce_sum3A_46 = vector.shape_cast %reduce_sum3A_45 : vector<1xf32> to vector<1x1x1xf32>
    %reduce_sum3A_47 = vector.extract %reduce_sum3A_46[0, 0, 0] : f32 from vector<1x1x1xf32>
    %swap3A = arith.constant 0 : index
    %swap3A_48 = arith.constant 0 : index
    %swap3A_49 = memref.load %arg6[%swap3A, %swap3A_48] : memref<1x1xf32, #tpu.memory_space<smem>>
    memref.store %reduce_sum3A_47, %arg6[%swap3A, %swap3A_48] : memref<1x1xf32, #tpu.memory_space<smem>>
    return
  }
}

</mosaic_0001>

<sc_bundles>
// kernel: kernel.4.cloned.1.call-start
scs
__scs_entry_jumppad:
0x0: {  	(pc) =	sbr.rel $0x88, $3  }
0x1: {  	(tag) =	ssettag $0x0;
	lr =	simm.s32 $0x1  }
0x2: {  	[smem:$0x3F9C] =	sst lr;
	_ =	strace $0xD0000000  }
0x3: {  	_ = 	snop  }
0x4: {  	_ = 	snop  }
0x5: {  	_ = 	snop  }
0x6: {  	_ = 	snop  }
0x7: {  	_ = 	snop  }
__scs_overlays_trampoline_lowered:
0x8: {  	[smem:$0x3FAB] =	sst s0  }
0x9: {  	[smem:$0x3FAC] =	sst s1  }
0xa: {  	[smem:$0x3FAD] =	sst s2  }
0xb: {  	[smem:$0x3FAE] =	sst s3  }
0xc: {  	[smem:$0x3FAF] =	sst s4  }
0xd: {  	[smem:$0x3FB0] =	sst s5  }
0xe: {  	[smem:$0x3FB1] =	sst s6  }
0xf: {  	[smem:$0x3FB2] =	sst s7  }
0x10: {  	[smem:$0x3FB3] =	sst s8  }
0x11: {  	[smem:$0x3FB4] =	sst s9;
	s0 =	simm.s32 @!p0 $0x0  }
0x12: {  	s1 =	sld [smem:$0x3F9A];
	s0 =	simm.s32 @p0 $0x1  }
0x13: {  	[smem:$0x3FB5] =	sst s0;
	s0 =	simm.s32 @!p1 $0x0  }
0x14: {  	s2 =	sld [smem:$0x3F99];
	s0 =	simm.s32 @p1 $0x1  }
0x15: {  	[smem:$0x3FB6] =	sst s0;
	s0 =	simm.s32 @!p2 $0x0  }
0x16: {  	s3 =	sld [smem:$0x3FDB];
	s0 =	simm.s32 @p2 $0x1  }
0x17: {  	s4 =	simm.s32 $0x1BF5;
	[smem:$0x3FB8] =	sst s0  }
0x18: {  	s0 =	sld [smem:$0x3F9B];
	_ =	swait.ge [sflag:s4], $0x0  }
0x19: {  	s7 =	sld [smem:$0x3F9C]  }
0x1a: {  	s8 =	sadd.s32 $0xFFFFE003, lr  }
0x1b: {  	s9 =	sadd.s32 $0xFFFFFEF7, lr;
	s5 =	simm.s32 $0xFFFFFFFF;
	p2 =	slt.u32 s8, $0xFFFFF086  }
0x1c: {  	p1 =	slt.u32 s9, $0xF7A;
	s5 =	simm.s32 @!p2 $0x0  }
0x1d: {  	s5 =	simm.s32 @p1 $0x1;
	p0 =	seq.s32 s7, s2  }
0x1e: {  	s7 =	smul.u32 @!p0 $0xF7A, s2;
	p2 =	seq.s32 @!p0 s5, $0x0  }
0x1f: {  	s9 =	smul.u32 $0xF7A, s1;
	s8 =	simm.s32 @!p0 $0x1BF5;
	p2 =	por !p2, p0  }
0x20: {  	[sflag:s8] =	ssyncset.s32 @!p0 $0xFFFFF086;
	s6 =	sadd.s32 @!p0 s3, s7;
	s7 =	simm.s32 @!p0 $0x108  }
0x21: {  	s3 =	sadd.s32 s3, s9;
	s6 =	sadd.s32 @!p0 $0x88, s6;
	s7 =	simm.s32 @p2 $0x1082  }
0x22: {  	[simem:s7], [sflag:s8] =	dma.local @!p0 [hbm:s6], $0xF7A  }
0x23: {  	s9 =	sor.u32 $0xD0000000, s2;
	s6 =	simm.s32 $0x108;
	_ =	swait.ge @!p0 [sflag:s8], $0x0  }
0x24: {  	s3 =	sadd.s32 $0x88, s3;
	s6 =	simm.s32 @!p1 $0x1082;
	[sflag:s4] =	ssyncset.s32 $0xFFFFF086  }
0x25: {  	[simem:s6], [sflag:s4] =	dma.local [hbm:s3], $0xF7A  }
0x26: {  	[smem:$0x3F9C] =	sst s1;
	(tag) =	ssettag s2;
	_ =	strace s9  }
0x27: {  	s1 =	sld [smem:$0x3FAC]  }
0x28: {  	s2 =	sld [smem:$0x3FAD]  }
0x29: {  	s4 =	sld [smem:$0x3FAF]  }
0x2a: {  	p0 =	seq.s32 s5, $0x0;
	s5 =	sld [smem:$0x3FB0]  }
0x2b: {  	s6 =	sld [smem:$0x3FB1]  }
0x2c: {  	s7 =	sld [smem:$0x3FB2]  }
0x2d: {  	s3 =	simm.s32 $0x108;
	s8 =	sld [smem:$0x3FB3]  }
0x2e: {  	s3 =	simm.s32 @!p0 $0x1082;
	s9 =	sld [smem:$0x3FB4]  }
0x2f: {  	lr =	sadd.s32 s0, s3;
	s0 =	sld [smem:$0x3FAB]  }
0x30: {  	s3 =	sld [smem:$0x3FAE]  }
0x31: {  	[smem:$0x3FB7] =	sst s10  }
0x32: {  	s10 =	sld [smem:$0x3FB5];
	_ =	sdelay $0x3  }
0x33: {  	p0 =	seq.s32 s10, $0x1;
	s10 =	sld [smem:$0x3FB7];
	_ =	sdelay $0x3  }
0x34: {  	[smem:$0x3FB7] =	sst s10  }
0x35: {  	s10 =	sld [smem:$0x3FB6];
	_ =	sdelay $0x3  }
0x36: {  	p1 =	seq.s32 s10, $0x1;
	s10 =	sld [smem:$0x3FB7];
	_ =	sdelay $0x3  }
0x37: {  	[smem:$0x3FB7] =	sst s10  }
0x38: {  	s10 =	sld [smem:$0x3FB8]  }
0x39: {  	_ = 	snop;
	(pc) =	sbr.ind lr, $3  }
0x3a: {  	_ = 	snop  }
0x3b: {  	_ = 	snop  }
0x3c: {  	p2 =	seq.s32 s10, $0x1;
	s10 =	sld [smem:$0x3FB7]  }
0x3d: {  	_ =	shalt  }
0x3e: {  	_ =	shalt  }
0x3f: {  	_ =	shalt  }
0x40: {  	_ =	shalt  }
0x41: {  	_ =	shalt  }
0x42: {  	_ =	shalt  }
0x43: {  	_ =	shalt  }
0x44: {  	_ =	shalt  }
0x45: {  	_ =	shalt  }
0x46: {  	_ =	shalt  }
0x47: {  	_ =	shalt  }
0x48: {  	_ =	shalt  }
0x49: {  	_ =	shalt  }
0x4a: {  	_ =	shalt  }
0x4b: {  	_ =	shalt  }
0x4c: {  	_ =	shalt  }
0x4d: {  	_ =	shalt  }
0x4e: {  	_ =	shalt  }
0x4f: {  	_ =	shalt  }
0x50: {  	_ =	shalt  }
0x51: {  	_ =	shalt  }
0x52: {  	_ =	shalt  }
0x53: {  	_ =	shalt  }
0x54: {  	_ =	shalt  }
0x55: {  	_ =	shalt  }
0x56: {  	_ =	shalt  }
0x57: {  	_ =	shalt  }
0x58: {  	_ =	shalt  }
0x59: {  	_ =	shalt  }
0x5a: {  	_ =	shalt  }
0x5b: {  	_ =	shalt  }
0x5c: {  	_ =	shalt  }
0x5d: {  	_ =	shalt  }
0x5e: {  	_ =	shalt  }
0x5f: {  	_ =	shalt  }
0x60: {  	_ =	shalt  }
0x61: {  	_ =	shalt  }
0x62: {  	_ =	shalt  }
0x63: {  	_ =	shalt  }
0x64: {  	_ =	shalt  }
0x65: {  	_ =	shalt  }
0x66: {  	_ =	shalt  }
0x67: {  	_ =	shalt  }
0x68: {  	_ =	shalt  }
0x69: {  	_ =	shalt  }
0x6a: {  	_ =	shalt  }
0x6b: {  	_ =	shalt  }
0x6c: {  	_ =	shalt  }
0x6d: {  	_ =	shalt  }
0x6e: {  	_ =	shalt  }
0x6f: {  	_ =	shalt  }
0x70: {  	_ =	shalt  }
0x71: {  	_ =	shalt  }
0x72: {  	_ =	shalt  }
0x73: {  	_ =	shalt  }
0x74: {  	_ =	shalt  }
0x75: {  	_ =	shalt  }
0x76: {  	_ =	shalt  }
0x77: {  	_ =	shalt  }
0x78: {  	_ =	shalt  }
0x79: {  	_ =	shalt  }
0x7a: {  	_ =	shalt  }
0x7b: {  	_ =	shalt  }
0x7c: {  	_ =	shalt  }
0x7d: {  	_ =	shalt  }
0x7e: {  	_ =	shalt  }
0x7f: {  	_ =	shalt  }
0x80: {  	_ =	shalt  }
0x81: {  	_ =	shalt  }
0x82: {  	_ =	shalt  }
0x83: {  	_ =	shalt  }
0x84: {  	_ =	shalt  }
0x85: {  	_ =	shalt  }
0x86: {  	_ =	shalt  }
0x87: {  	_ =	shalt  }
.Lfunc_end0:
.L_simem_size_0:
called_computation_lowered:
.L_overlay_start_0:
0x88: {  	s2 =	sld [smem:$0x3FD9]  }
0x89: {  	s3 =	sld [smem:$0x3FFE];
	_ =	sdelay $0x1  }
0x8a: {  	s1 =	srdreg.scid  }
0x8b: {  	s0 =	sand.u32 $0x1, s1  }
0x8c: {  	s16 =	sshll.u32 s0, $0xA;
	s2 =	sadd.s32 s3, s2  }
0x8d: {  	s2 =	sadd.s32 s2, s16  }
0x8e: {  	[smem:$0x3FC3] =	sst s2  }
0x8f: {  	_ = 	snop  }
0x90: {  	(tm) =	ssettm $0x1  }
0x91: {  	s17 =	sld [smem:$0x3FFB];
	_ =	sdelay $0x3  }
0x92: {  	_ =	strace s17  }
0x93: {  	s2 =	sld [smem:$0x3FFC];
	_ =	sdelay $0x3  }
0x94: {  	_ =	strace s2  }
0x95: {  	s2 =	sld [smem:$0x3FFD];
	_ =	sdelay $0x3  }
0x96: {  	_ =	strace s2  }
0x97: {  	_ =	strace $0x8FFFFFFF  }
0x98: {  	s18 =	sld [smem:$0x3FDB];
	_ =	sdelay $0x1  }
0x99: {  	s19 =	simm.s32 $_scs_section_size  }
0x9a: {  	s4 =	simm.s32 $_size__tile_overlayer_lowered;
	s5 =	simm.s32 $_tile_overlayer_lowered  }
0x9b: {  	s22 =	simm.s32 $0x1BFF;
	s21 =	sshll.u32 s5, $0x1;
	s2 =	sadd.s32 s19, s18  }
0x9c: {  	s6 =	simm.s32 $0x0;
	s20 =	sshll.u32 s4, $0x1;
	s4 =	sadd.s32 s21, s2  }
0x9d: {  	[timem:s6], [sflag:s22] =	dma.local [hbm:s4], s20  }
0x9e: {  	_ =	swait.ge [sflag:s22], s20  }
0x9f: {  	s3 =	ssub.s32 $0x0, s20;
	[sflag:s22] =	ssyncset.done $0x0  }
0xa0: {  	[sflag:s22] =	ssyncadd.s32 s3;
	_ =	sdelay $0x1  }
0xa1: {  	s23 =	simm.s32 $0x1B8B  }
0xa2: {  	_ =	swait.ge [sflag:s23], $0x1  }
0xa3: {  	[sflag:s23] =	ssyncset.done $0x0  }
0xa4: {  	s25 =	simm.s32 $0x1B8E;
	s24 =	sld [smem:$0x3FFE];
	[sflag:s23] =	ssyncadd.s32 $0xFFFFFFFF  }
0xa5: {  	s26 =	simm.s32 $execute0_lowered;
	[smem:$0x3FD2] =	sst s25  }
0xa6: {  	s4 =	sshll.u32 s26, $0x1;
	_ =	strace $0x80000046;
	[dreg:$0x1] =	wrdreg $0xFFFFFFFF  }
0xa7: {  	s28 =	simm.s32 $_size_execute0_lowered;
	s2 =	sadd.s32 s2, s4;
	[dreg:$0x0] =	wrdreg $0x0  }
0xa8: {  	s4 =	sshll.u32 s28, $0x1;
	[dreg:$0x2] =	wrdreg s2  }
0xa9: {  	[dreg:$0x3] =	wrdreg s4  }
0xaa: {  	[dreg:$0x4] =	wrdreg $0xC0  }
0xab: {  	_ =	task [dreg:s6], $0x5FFFF  }
0xac: {  	[dreg:$0x1] =	wrdreg $0xFFFFFFFF  }
0xad: {  	[dreg:$0x0] =	wrdreg $0x60  }
0xae: {  	[dreg:$0x2] =	wrdreg s24  }
0xaf: {  	[dreg:$0x3] =	wrdreg $0x9  }
0xb0: {  	_ =	task.clear_ibuf [dreg:s6], $0x4FFFF;
	_ =	strace $0x90000046  }
0xb1: {  	s29 =	simm.s32 $0x9;
	_ =	strace $0x80000048  }
0xb2: {  	_ =	swait.ge [sflag:s29], $0x1  }
0xb3: {  	[sflag:s29] =	ssyncadd.s32 $0xFFFFFFFF  }
0xb4: {  	_ =	strace $0x90000048  }
0xb5: {  	_ =	sfence  }
0xb6: {  	s30 =	sld [smem:$0x0];
	_ =	sdelay $0x2  }
0xb7: {  	s31 =	sshll.u32 s1, $0xD;
	s1 =	sshrl.u32 s1, $0x2  }
0xb8: {  	s3 =	sand.u32 $0x4000, s31;
	s1 =	sadd.s32 s1, s30  }
0xb9: {  	s0 =	sor.u32 s3, s0;
	s1 =	sshll.u32 s1, $0x11  }
0xba: {  	s0 =	sor.u32 s1, s0  }
0xbb: {  	s0 =	sadd.s32 $0x8F2B, s0  }
0xbc: {  	[sflag:s0] =	ssyncadd.remote.s32 $0x1  }
0xbd: {  	_ =	sfence.sel $0xFFFF  }
0xbe: {  	[dreg:$0x0] =	wrdreg $0xFFFFFFFF;
	(pc) =	sbr.abs _section_cstart, $3  }
0xbf: {  	[dreg:$0x1] =	wrdreg $0xFFFFFFFF  }
0xc0: {  	_ =	task.clear_ibuf [dreg:s6], $0x2FFFF;
	_ =	strace $0x9FFFFFFF  }
0xc1: {  	(tm) =	ssettm $0x7FFFFFFF  }
tec
execute0_lowered:
.L_overlay_start_1:
0x0: {  	(tag) =	ssettag $0x1  }
0x1: {  	s0 =	rddreg [dreg:$0x0]  }
0x2: {  	s1 =	srdreg.scid;
	s3 =	stileid.u32  }
0x3: {  	s2 =	simm.s32 $0x0;
	s31 =	simm.s32 $0x2580;
	s1 =	sand.u32 $0x1, s1  }
0x4: {  	s3 =	sshll.u32 s3, $0x1;
	[smem:$0x7FF] =	sst s2;
	s6 =	sadd.s32 $0x4200, s0  }
0x5: {  	s7 =	sadd.s32 $0x35000, s0;
	s9 =	sadd.s32 $0x41400, s0;
	s5 =	sor.u32 s1, s3  }
0x6: {  	_ =	strace $0x80000047;
	s3 =	sadd.s32 $0x1000, s0;
	s1 =	ssub.s32 $0x2, s1  }
0x7: {  	s0 =	sadd.s32 $0x4D800, s0;
	s4 =	smul.u32 $0xC80, s5;
	s8 =	sshrl.u32 s1, $0x1  }
0x8: {  	s10 =	sor.u32 $0x20, s5;
	s21 =	smul.u32 $0x190, s5;
	s13 =	sor.u32 $0x40, s5  }
0x9: {  	s24 =	sor.u32 $0x60, s5;
	p0 =	sgt.u32 s5, $0x1C;
	s20 =	smul.u32 $0xC80, s10  }
0xa: {  	s5 =	simm.s32 $0xD480;
	s10 =	smul.u32 $0x190, s10;
	s14 =	sadd.s32 s7, s21  }
0xb: {  	s1 =	ssub.s32 s1, s8;
	s23 =	sadd.s32 s9, s21;
	[dreg:$0x5] =	wrdreg s14  }
0xc: {  	s22 =	smul.u32 $0xC80, s13;
	[dreg:$0x6] =	wrdreg s23;
	s15 =	sadd.s32 s7, s10  }
0xd: {  	s13 =	smul.u32 $0x190, s13;
	s26 =	sadd.s32 s9, s10;
	[dreg:$0x8] =	wrdreg s15  }
0xe: {  	s25 =	smul.u32 $0xC80, s24;
	s10 =	sadd.s32 s0, s10;
	[dreg:$0x9] =	wrdreg s26  }
0xf: {  	s4 =	sshrl.u32 s4, $0x3;
	s16 =	sadd.s32 s7, s13;
	[dreg:$0xa] =	wrdreg s10  }
0x10: {  	s4 =	sadd.s32 s6, s4;
	s17 =	sadd.s32 s9, s13;
	[dreg:$0xc] =	wrdreg s16  }
0x11: {  	s8 =	sshrl.u32 s20, $0x3;
	s19 =	sadd.s32 $0xC350, s4;
	[dreg:$0xd] =	wrdreg s17  }
0x12: {  	s11 =	sadd.s32 $0x186A0, s4;
	s12 =	sadd.s32 $0x249F0, s4;
	[dreg:$0x2] =	wrdreg s19  }
0x13: {  	s8 =	sadd.s32 s6, s8;
	s15 =	smul.u32 $0x190, s24;
	[dreg:$0x3] =	wrdreg s11  }
0x14: {  	s16 =	simm.s32 $0xC800;
	[dreg:$0x4] =	wrdreg s12;
	s12 =	sshrl.u32 s22, $0x3  }
0x15: {  	s11 =	sadd.s32 s0, s21;
	s19 =	sadd.s32 s0, s13;
	s23 =	sadd.s32 $0xC350, s8  }
0x16: {  	s24 =	sadd.s32 $0x186A0, s8;
	s26 =	sadd.s32 $0x249F0, s8;
	[dreg:$0x7] =	wrdreg s11  }
0x17: {  	s12 =	sadd.s32 s6, s12;
	s11 =	sshrl.u32 s25, $0x3;
	s7 =	sadd.s32 s7, s15  }
0x18: {  	s18 =	sadd.s32 s9, s15;
	s0 =	sadd.s32 s0, s15;
	[dreg:$0xe] =	wrdreg s7  }
0x19: {  	s25 =	smax.u32 s1, $0x1;
	s1 =	simm.s32 $0x1;
	[dreg:$0xf] =	wrdreg s18  }
0x1a: {  	s9 =	simm.s32 $0x0;
	s6 =	sadd.s32 s6, s11;
	[dreg:$0x10] =	wrdreg s0  }
.Ltmp0:
0x1b: {  	s28 =	sadd.s32 $0xC350, s12;
	s29 =	sadd.s32 $0x186A0, s12;
	(pc) =	sbr.rel .LBB2_1-.Ltmp0, $4  }
0x1c: {  	s30 =	sadd.s32 $0x249F0, s12;
	s20 =	sadd.s32 $0xC350, s6;
	[dreg:$0xb] =	wrdreg s6  }
0x1d: {  	s0 =	simm.s32 $0x80;
	s21 =	sadd.s32 $0x186A0, s6;
	[dreg:$0x11] =	wrdreg s20  }
0x1e: {  	s7 =	simm.s32 $0x2;
	s22 =	sadd.s32 $0x249F0, s6;
	[dreg:$0x12] =	wrdreg s21  }
0x1f: {  	s6 =	simm.s32 $0xE100;
	[dreg:$0x13] =	wrdreg s22;
	s20 =	simm.s32 $0x3  }
.LBB2_20:
0x20: {  	v5 =	vmul.u32 v5, v7  }
0x21: {  	v14 =	vmul.u32 v1, v10;
	v3 =	vmul.u32 v3, v7;
	v12 =	vsub.s32 v12, v13  }
0x22: {  	v49 =	vcvt.s32.f32 v7;
	v50 =	vcvt.s32.f32 v10;
	v6 =	vsub.s32 v11, v6  }
0x23: {  	v9 =	vcvt.s32.f32 v9;
	v52 =	vmul.u32 v2, v1;
	v0 =	vcvt.s32.f32 v0  }
0x24: {  	v51 =	vcvt.s32.f32 v12;
	v6 =	vcvt.s32.f32 v6;
	v3 =	vsub.s32 v14, v3  }
0x25: {  	v5 =	vsub.s32 v5, v8;
	v54 =	vmul.f32 v9, v9;
	v3 =	vcvt.s32.f32 v3  }
0x26: {  	v1 =	vsub.s32 v4, v52;
	v53 =	vcvt.s32.f32 v5;
	v55 =	vmul.f32 v6, v6  }
0x27: {  	v56 =	vmul.f32 v51, v51;
	v1 =	vcvt.s32.f32 v1  }
0x28: {  	v58 =	vmul.f32 v51, v6;
	v2 =	vmul.f32 v53, v53  }
0x29: {  	v6 =	vmul.f32 v6, v49;
	v57 =	vmul.f32 v53, v9;
	v5 =	vadd.f32 v54, v55  }
0x2a: {  	v59 =	vmul.f32 v1, v1;
	v60 =	vmul.f32 v3, v3;
	v2 =	vadd.f32 v2, v56  }
0x2b: {  	v9 =	vmul.f32 v9, v50;
	v3 =	vmul.f32 v3, v1;
	v61 =	vadd.f32 v57, v58  }
0x2c: {  	v5 =	vadd.f32 v5, v59;
	v2 =	vadd.f32 v2, v60  }
0x2d: {  	v0 =	vmul.f32 v1, v0;
	v63 =	vadd.f32 v9, v6;
	v62 =	vadd.f32 v61, v3  }
0x2e: {  	v2 =	vmul.f32 v2, v5  }
0x2f: {  	v0 =	vadd.f32 v63, v0;
	[tilespmem:s13+$0x0] =	vst v62  }
0x30: {  	[tilespmem:s14+$0x0] =	vst v2  }
0x31: {  	s18 =	rddreg [dreg:$0xe];
	[tilespmem:s10+$0x0] =	vst v0  }
0x32: {  	[hbm4b:s18+s2] =	stream.linear.scatter [tilespmem:s16], [sflag:$0x3], $0xC80, $0x38;
	[tilespmem:$0xED80] =	vst v63  }
0x33: {  	_ =	swait.ge [sflag:s20], $0xC80  }
0x34: {  	[sflag:s20] =	ssyncset.done $0x0  }
0x35: {  	s21 =	rddreg [dreg:$0xf];
	[sflag:s20] =	ssyncadd.s32 $0xFFFFF380  }
0x36: {  	[hbm4b:s21+s2] =	stream.linear.scatter [tilespmem:s5], [sflag:$0x3], $0xC80, $0x38;
	[tilespmem:$0xED80] =	vst v63  }
0x37: {  	_ =	swait.ge [sflag:s20], $0xC80  }
0x38: {  	[sflag:s20] =	ssyncset.done $0x0  }
0x39: {  	s22 =	rddreg [dreg:$0x10];
	[sflag:s20] =	ssyncadd.s32 $0xFFFFF380  }
0x3a: {  	[hbm4b:s22+s2] =	stream.linear.scatter [tilespmem:s6], [sflag:$0x3], $0xC80, $0x38;
	[tilespmem:$0xED80] =	vst v63  }
0x3b: {  	_ =	swait.ge [sflag:s20], $0xC80  }
0x3c: {  	[sflag:s20] =	ssyncset.done $0x0  }
0x3d: {  	[sflag:s20] =	ssyncadd.s32 $0xFFFFF380  }
.LBB2_21:
0x3e: {  	s9 =	sadd.s32 $0x1, s9  }
0x3f: {  	p1 =	sne.s32 s9, s25  }
.Ltmp1:
0x40: {  	_ = 	snop;
	(pc) =	sbr.rel @!p1 .LBB2_22-.Ltmp1, $1  }
0x41: {  	_ =	sdelay $0x3  }
.LBB2_1:
0x42: {  	[tilespmem:s2], [sflag:$0x3] =	stream.linear.gather [hbm4b:s4+s2], $0xC80, $0x38;
	[tilespmem:$0xED80] =	vst v63  }
0x43: {  	_ =	swait.ge [sflag:s20], $0xC80  }
0x44: {  	[sflag:s20] =	ssyncset.done $0x0  }
0x45: {  	s11 =	simm.s32 $0xC80;
	s10 =	rddreg [dreg:$0x2];
	[sflag:s20] =	ssyncadd.s32 $0xFFFFF380  }
0x46: {  	[tilespmem:s11], [sflag:$0x3] =	stream.linear.gather [hbm4b:s10+s2], $0xC80, $0x38;
	[tilespmem:$0xED80] =	vst v63  }
0x47: {  	_ =	swait.ge [sflag:s20], $0xC80  }
0x48: {  	[sflag:s20] =	ssyncset.done $0x0  }
0x49: {  	s21 =	simm.s32 $0x1900;
	s18 =	rddreg [dreg:$0x3];
	[sflag:s20] =	ssyncadd.s32 $0xFFFFF380  }
0x4a: {  	[tilespmem:s21], [sflag:$0x3] =	stream.linear.gather [hbm4b:s18+s2], $0xC80, $0x38;
	[tilespmem:$0xED80] =	vst v63  }
0x4b: {  	_ =	swait.ge [sflag:s20], $0xC80  }
0x4c: {  	[sflag:s20] =	ssyncset.done $0x0  }
0x4d: {  	s22 =	rddreg [dreg:$0x4];
	[sflag:s20] =	ssyncadd.s32 $0xFFFFF380  }
0x4e: {  	[tilespmem:s31], [sflag:$0x3] =	stream.linear.gather [hbm4b:s22+s2], $0xC80, $0x38;
	[tilespmem:$0xED80] =	vst v63  }
0x4f: {  	_ =	swait.ge [sflag:s20], $0xC80  }
0x50: {  	s13 =	simm.s32 $0x6400;
	[sflag:s20] =	ssyncset.done $0x0  }
0x51: {  	s10 =	simm.s32 $0x200;
	s11 =	simm.s32 $0x0;
	[sflag:s20] =	ssyncadd.s32 $0xFFFFF380  }
.LBB2_2:
0x52: {  	[tilespmem:s13], [sflag:$0x1] =	stream.indirect.gather [hbm4b:s3+s0], $0x1, s11, s0, $0xb8;
	[tilespmem:$0xED80] =	vst v63  }
0x53: {  	s11 =	smov.u32 s10;
	p1 =	sne.s32 s10, $0xC600  }
.Ltmp2:
0x54: {  	s10 =	sadd.s32 $0x200, s10;
	(pc) =	sbr.rel @p1 .LBB2_2-.Ltmp2, $3  }
0x55: {  	_ =	sdelay $0x1  }
0x56: {  	s11 =	sshra.s32 s11, $0x2  }
0x57: {  	s13 =	sadd.s32 $0x6400, s11  }
0x58: {  	[tilespmem:s13], [sflag:$0x1] =	stream.indirect.gather [hbm4b:s3+s0], $0x1, s11, s0, $0xb8;
	[tilespmem:$0xED80] =	vst v63  }
0x59: {  	s10 =	simm.s32 $0x0;
	s17 =	simm.s32 $0x3200  }
0x5a: {  	[tilespmem:s17], [sflag:$0x3] =	stream.linear.gather [hbm4b:s8+s10], $0xC80, $0x38;
	[tilespmem:$0xED80] =	vst v63  }
0x5b: {  	_ =	swait.ge [sflag:s20], $0xC80  }
0x5c: {  	[sflag:s20] =	ssyncset.done $0x0  }
0x5d: {  	s18 =	simm.s32 $0x3E80;
	[sflag:s20] =	ssyncadd.s32 $0xFFFFF380  }
0x5e: {  	[tilespmem:s18], [sflag:$0x3] =	stream.linear.gather [hbm4b:s23+s10], $0xC80, $0x38;
	[tilespmem:$0xED80] =	vst v63  }
0x5f: {  	_ =	swait.ge [sflag:s20], $0xC80  }
0x60: {  	[sflag:s20] =	ssyncset.done $0x0  }
0x61: {  	s21 =	simm.s32 $0x4B00;
	[sflag:s20] =	ssyncadd.s32 $0xFFFFF380  }
0x62: {  	[tilespmem:s21], [sflag:$0x3] =	stream.linear.gather [hbm4b:s24+s10], $0xC80, $0x38;
	[tilespmem:$0xED80] =	vst v63  }
0x63: {  	_ =	swait.ge [sflag:s20], $0xC80  }
0x64: {  	[sflag:s20] =	ssyncset.done $0x0  }
0x65: {  	s22 =	simm.s32 $0x5780;
	[sflag:s20] =	ssyncadd.s32 $0xFFFFF380  }
0x66: {  	[tilespmem:s22], [sflag:$0x3] =	stream.linear.gather [hbm4b:s26+s10], $0xC80, $0x38;
	[tilespmem:$0xED80] =	vst v63  }
0x67: {  	_ =	swait.ge [sflag:s20], $0xC80  }
0x68: {  	s11 =	simm.s32 $0x9600;
	[sflag:s20] =	ssyncset.done $0x0  }
0x69: {  	s13 =	simm.s32 $0x3200;
	s10 =	simm.s32 $0x200;
	[sflag:s20] =	ssyncadd.s32 $0xFFFFF380  }
.LBB2_4:
0x6a: {  	[tilespmem:s11], [sflag:$0x2] =	stream.indirect.gather [hbm4b:s3+s0], $0x1, s13, s0, $0xb8;
	[tilespmem:$0xED80] =	vst v63  }
0x6b: {  	s11 =	smov.u32 s10;
	p1 =	sne.s32 s10, $0xC600  }
.Ltmp3:
0x6c: {  	s10 =	sadd.s32 $0x200, s10;
	(pc) =	sbr.rel @p1 .LBB2_4-.Ltmp3, $3  }
0x6d: {  	_ =	sdelay $0x1  }
0x6e: {  	s13 =	sshra.s32 s11, $0x2  }
0x6f: {  	s11 =	sadd.s32 $0x9600, s13;
	s13 =	sadd.s32 $0x3200, s13  }
0x70: {  	[tilespmem:s11], [sflag:$0x2] =	stream.indirect.gather [hbm4b:s3+s0], $0x1, s13, s0, $0xb8;
	[tilespmem:$0xED80] =	vst v63  }
0x71: {  	_ =	swait.ge [sflag:s1], $0x3200  }
0x72: {  	s10 =	simm.s32 $0x0;
	[sflag:s1] =	ssyncset.done $0x0  }
0x73: {  	s10 =	sand.u32 $0xFF0, s10;
	[sflag:s1] =	ssyncadd.s32 $0xFFFFCE00  }
0x74: {  	v0 =	vld [tilespmem:s10+$0x7D00]  }
0x75: {  	s11 =	simm.s32 $0x6400;
	v1 =	vld [tilespmem:s10+$0x7080]  }
0x76: {  	v2 =	vld [tilespmem:s11+$0x0]  }
0x77: {  	v4 =	vld [tilespmem:s10+$0x8980];
	_ =	sdelay $0x2  }
0x78: {  	v3 =	vshll.u32 v0, $0x15;
	v5 =	vshll.u32 v0, $0xA  }
0x79: {  	v6 =	vshll.u32 v1, $0x15;
	v8 =	vshra.s32 v2, $0x16;
	v0 =	vshra.s32 v0, $0x16  }
0x7a: {  	v13 =	vshll.u32 v4, $0xA;
	v14 =	vshra.s32 v4, $0x16;
	v4 =	vshll.u32 v4, $0x15  }
0x7b: {  	v7 =	vshra.s32 v3, $0x15;
	v9 =	vshra.s32 v5, $0x15;
	v3 =	vshll.u32 v2, $0xA  }
0x7c: {  	v5 =	vshll.u32 v1, $0xA;
	v10 =	vshra.s32 v6, $0x15;
	v6 =	vshra.s32 v1, $0x16  }
0x7d: {  	v2 =	vshll.u32 v2, $0x15;
	v4 =	vshra.s32 v4, $0x15;
	v11 =	vshra.s32 v3, $0x15  }
0x7e: {  	v12 =	vshra.s32 v5, $0x15;
	v5 =	vsub.s32 v0, v6;
	v1 =	vsub.s32 v7, v10  }
0x7f: {  	v0 =	vsub.s32 v14, v0;
	v8 =	vsub.s32 v6, v8;
	v2 =	vshra.s32 v2, $0x15  }
0x80: {  	v7 =	vsub.s32 v4, v7;
	v4 =	vshra.s32 v13, $0x15;
	v3 =	vsub.s32 v9, v12  }
0x81: {  	v13 =	vsub.s32 v10, v2;
	v2 =	vsub.s32 v12, v11;
	v14 =	vmul.u32 v8, v1  }
0x82: {  	s15 =	simm.s32 $0xC800;
	v10 =	vsub.s32 v4, v9;
	v6 =	vmul.u32 v8, v3;
	v15 =	vmul.u32 v5, v13  }
0x83: {  	s21 =	simm.s32 $0xD480;
	s17 =	simm.s32 $0x10;
	s22 =	simm.s32 $0xE110;
	v8 =	vmul.u32 v0, v1;
	v4 =	vmul.u32 v13, v3;
	v12 =	vmul.u32 v0, v3  }
0x84: {  	s13 =	simm.s32 $0xC800;
	s14 =	simm.s32 $0xD480;
	s10 =	simm.s32 $0xE100;
	v11 =	vmul.u32 v5, v2;
	v13 =	vmul.u32 v5, v10;
	v9 =	vsub.s32 v14, v15  }
.LBB2_6:
0x85: {  	v5 =	vmul.u32 v5, v7;
	v14 =	vmul.u32 v1, v10;
	v3 =	vmul.u32 v3, v7;
	s11 =	sadd.s32 $0x10, s11;
	s15 =	sadd.s32 $0x10, s15;
	s21 =	sadd.s32 $0x10, s21  }
0x86: {  	p1 =	sne.s32 s17, $0xC70;
	v7 =	vcvt.s32.f32 v7;
	v10 =	vcvt.s32.f32 v10;
	s18 =	smov.u32 s17;
	s17 =	sadd.s32 $0x10, s17;
	v12 =	vsub.s32 v12, v13  }
0x87: {  	v6 =	vsub.s32 v11, v6;
	v3 =	vsub.s32 v14, v3;
	v11 =	vcvt.s32.f32 v12  }
0x88: {  	v5 =	vsub.s32 v5, v8;
	v8 =	vcvt.s32.f32 v9;
	v3 =	vcvt.s32.f32 v3  }
0x89: {  	v1 =	vmul.u32 v2, v1;
	v2 =	vcvt.s32.f32 v6;
	v5 =	vcvt.s32.f32 v5  }
0x8a: {  	v0 =	vcvt.s32.f32 v0;
	v6 =	vmul.f32 v8, v8  }
0x8b: {  	v1 =	vsub.s32 v4, v1;
	v4 =	vmul.f32 v2, v2;
	v9 =	vmul.f32 v11, v11  }
0x8c: {  	v12 =	vmul.f32 v5, v8;
	v8 =	vmul.f32 v8, v10  }
0x8d: {  	v1 =	vcvt.s32.f32 v1;
	v5 =	vmul.f32 v5, v5  }
0x8e: {  	v10 =	vmul.f32 v11, v2;
	v2 =	vmul.f32 v2, v7;
	v4 =	vadd.f32 v6, v4  }
0x8f: {  	v7 =	vmul.f32 v3, v3;
	v6 =	vmul.f32 v1, v1;
	v5 =	vadd.f32 v5, v9  }
0x90: {  	v3 =	vmul.f32 v3, v1;
	v0 =	vmul.f32 v1, v0;
	v9 =	vadd.f32 v12, v10  }
0x91: {  	v1 =	vadd.f32 v4, v6;
	v4 =	vadd.f32 v5, v7  }
0x92: {  	s18 =	sand.u32 $0xFF0, s18;
	v2 =	vadd.f32 v8, v2;
	v3 =	vadd.f32 v9, v3  }
0x93: {  	v1 =	vmul.f32 v4, v1  }
0x94: {  	v0 =	vadd.f32 v2, v0;
	[tilespmem:s13+$0x0] =	vst v3;
	s13 =	smov.u32 s15  }
0x95: {  	[tilespmem:s14+$0x0] =	vst v1;
	s14 =	smov.u32 s21  }
0x96: {  	[tilespmem:s10+$0x0] =	vst v0;
	s10 =	smov.u32 s22  }
0x97: {  	v0 =	vld [tilespmem:s18+$0x7D00]  }
0x98: {  	v1 =	vld [tilespmem:s18+$0x7080]  }
0x99: {  	v2 =	vld [tilespmem:s11+$0x0]  }
0x9a: {  	v4 =	vld [tilespmem:s18+$0x8980];
	_ =	sdelay $0x1  }
0x9b: {  	v3 =	vshll.u32 v0, $0x15;
	v5 =	vshll.u32 v0, $0xA  }
0x9c: {  	v6 =	vshll.u32 v1, $0x15;
	v7 =	vshra.s32 v3, $0x15;
	v9 =	vshra.s32 v5, $0x15  }
0x9d: {  	v5 =	vshll.u32 v1, $0xA;
	v3 =	vshll.u32 v2, $0xA;
	v8 =	vshra.s32 v2, $0x16  }
0x9e: {  	v0 =	vshra.s32 v0, $0x16;
	v10 =	vshra.s32 v6, $0x15;
	v6 =	vshra.s32 v1, $0x16  }
0x9f: {  	v12 =	vshra.s32 v5, $0x15;
	v11 =	vshra.s32 v3, $0x15;
	v13 =	vshll.u32 v4, $0xA  }
0xa0: {  	v14 =	vshra.s32 v4, $0x16;
	v3 =	vsub.s32 v9, v12;
	v5 =	vsub.s32 v0, v6  }
0xa1: {  	v4 =	vshll.u32 v4, $0x15;
	v1 =	vsub.s32 v7, v10;
	v0 =	vsub.s32 v14, v0  }
0xa2: {  	v2 =	vshll.u32 v2, $0x15;
	v8 =	vsub.s32 v6, v8;
	v4 =	vshra.s32 v4, $0x15  }
.Ltmp4:
0xa3: {  	v2 =	vshra.s32 v2, $0x15;
	v6 =	vmul.u32 v8, v3;
	v7 =	vsub.s32 v4, v7;
	(pc) =	sbr.rel @p1 .LBB2_6-.Ltmp4, $4  }
0xa4: {  	v4 =	vshra.s32 v13, $0x15;
	v13 =	vsub.s32 v10, v2;
	v2 =	vsub.s32 v12, v11  }
0xa5: {  	v14 =	vmul.u32 v8, v1;
	v8 =	vmul.u32 v0, v1;
	v15 =	vmul.u32 v5, v13  }
0xa6: {  	v12 =	vmul.u32 v0, v3;
	v10 =	vsub.s32 v4, v9;
	v4 =	vmul.u32 v13, v3  }
0xa7: {  	s22 =	sadd.s32 $0x10, s22;
	v11 =	vmul.u32 v5, v2;
	v13 =	vmul.u32 v5, v10;
	v9 =	vsub.s32 v14, v15  }
0xa8: {  	v5 =	vmul.u32 v5, v7;
	v14 =	vmul.u32 v1, v10;
	v49 =	vcvt.s32.f32 v7  }
0xa9: {  	v3 =	vmul.u32 v3, v7;
	v50 =	vcvt.s32.f32 v10;
	v9 =	vcvt.s32.f32 v9  }
0xaa: {  	v52 =	vmul.u32 v2, v1;
	v0 =	vcvt.s32.f32 v0;
	v12 =	vsub.s32 v12, v13  }
0xab: {  	v6 =	vsub.s32 v11, v6;
	v3 =	vsub.s32 v14, v3;
	v51 =	vcvt.s32.f32 v12  }
0xac: {  	v5 =	vsub.s32 v5, v8;
	v6 =	vcvt.s32.f32 v6;
	v54 =	vmul.f32 v9, v9  }
0xad: {  	v1 =	vsub.s32 v4, v52;
	v3 =	vcvt.s32.f32 v3;
	v53 =	vcvt.s32.f32 v5  }
0xae: {  	v1 =	vcvt.s32.f32 v1;
	v55 =	vmul.f32 v6, v6  }
0xaf: {  	v56 =	vmul.f32 v51, v51;
	v58 =	vmul.f32 v51, v6  }
0xb0: {  	v6 =	vmul.f32 v6, v49;
	v2 =	vmul.f32 v53, v53  }
0xb1: {  	v57 =	vmul.f32 v53, v9;
	v59 =	vmul.f32 v1, v1  }
0xb2: {  	v60 =	vmul.f32 v3, v3;
	v5 =	vadd.f32 v54, v55;
	v2 =	vadd.f32 v2, v56  }
0xb3: {  	v9 =	vmul.f32 v9, v50;
	v3 =	vmul.f32 v3, v1;
	v61 =	vadd.f32 v57, v58  }
0xb4: {  	v5 =	vadd.f32 v5, v59;
	v2 =	vadd.f32 v2, v60  }
0xb5: {  	v0 =	vmul.f32 v1, v0;
	v63 =	vadd.f32 v9, v6;
	v62 =	vadd.f32 v61, v3  }
0xb6: {  	v2 =	vmul.f32 v2, v5  }
0xb7: {  	v0 =	vadd.f32 v63, v0;
	[tilespmem:s13+$0x0] =	vst v62  }
0xb8: {  	[tilespmem:s14+$0x0] =	vst v2  }
0xb9: {  	s15 =	simm.s32 $0x0;
	s11 =	rddreg [dreg:$0x5];
	[tilespmem:s10+$0x0] =	vst v0  }
0xba: {  	[hbm4b:s11+s15] =	stream.linear.scatter [tilespmem:s16], [sflag:$0x3], $0xC80, $0x38;
	[tilespmem:$0xED80] =	vst v63  }
0xbb: {  	_ =	swait.ge [sflag:s20], $0xC80  }
0xbc: {  	[sflag:s20] =	ssyncset.done $0x0  }
0xbd: {  	s17 =	rddreg [dreg:$0x6];
	[sflag:s20] =	ssyncadd.s32 $0xFFFFF380  }
0xbe: {  	[hbm4b:s17+s15] =	stream.linear.scatter [tilespmem:s5], [sflag:$0x3], $0xC80, $0x38;
	[tilespmem:$0xED80] =	vst v63  }
0xbf: {  	_ =	swait.ge [sflag:s20], $0xC80  }
0xc0: {  	[sflag:s20] =	ssyncset.done $0x0  }
0xc1: {  	s18 =	rddreg [dreg:$0x7];
	[sflag:s20] =	ssyncadd.s32 $0xFFFFF380  }
0xc2: {  	[hbm4b:s18+s15] =	stream.linear.scatter [tilespmem:s6], [sflag:$0x3], $0xC80, $0x38;
	[tilespmem:$0xED80] =	vst v63  }
0xc3: {  	_ =	swait.ge [sflag:s20], $0xC80  }
0xc4: {  	[sflag:s20] =	ssyncset.done $0x0  }
0xc5: {  	[sflag:s20] =	ssyncadd.s32 $0xFFFFF380  }
0xc6: {  	[tilespmem:s15], [sflag:$0x3] =	stream.linear.gather [hbm4b:s12+s15], $0xC80, $0x38;
	[tilespmem:$0xED80] =	vst v63  }
0xc7: {  	_ =	swait.ge [sflag:s20], $0xC80  }
0xc8: {  	[sflag:s20] =	ssyncset.done $0x0  }
0xc9: {  	s21 =	simm.s32 $0xC80;
	[sflag:s20] =	ssyncadd.s32 $0xFFFFF380  }
0xca: {  	[tilespmem:s21], [sflag:$0x3] =	stream.linear.gather [hbm4b:s28+s15], $0xC80, $0x38;
	[tilespmem:$0xED80] =	vst v63  }
0xcb: {  	_ =	swait.ge [sflag:s20], $0xC80  }
0xcc: {  	[sflag:s20] =	ssyncset.done $0x0  }
0xcd: {  	s22 =	simm.s32 $0x1900;
	[sflag:s20] =	ssyncadd.s32 $0xFFFFF380  }
0xce: {  	[tilespmem:s22], [sflag:$0x3] =	stream.linear.gather [hbm4b:s29+s15], $0xC80, $0x38;
	[tilespmem:$0xED80] =	vst v63  }
0xcf: {  	_ =	swait.ge [sflag:s20], $0xC80  }
0xd0: {  	[sflag:s20] =	ssyncset.done $0x0  }
0xd1: {  	[sflag:s20] =	ssyncadd.s32 $0xFFFFF380  }
0xd2: {  	[tilespmem:s31], [sflag:$0x3] =	stream.linear.gather [hbm4b:s30+s15], $0xC80, $0x38;
	[tilespmem:$0xED80] =	vst v63  }
0xd3: {  	_ =	swait.ge [sflag:s20], $0xC80  }
0xd4: {  	s13 =	simm.s32 $0x6400;
	[sflag:s20] =	ssyncset.done $0x0  }
0xd5: {  	s10 =	simm.s32 $0x200;
	s11 =	simm.s32 $0x0;
	[sflag:s20] =	ssyncadd.s32 $0xFFFFF380  }
.LBB2_8:
0xd6: {  	[tilespmem:s13], [sflag:$0x1] =	stream.indirect.gather [hbm4b:s3+s0], $0x1, s11, s0, $0xb8;
	[tilespmem:$0xED80] =	vst v63  }
0xd7: {  	s11 =	smov.u32 s10;
	p1 =	sne.s32 s10, $0xC600  }
.Ltmp5:
0xd8: {  	s10 =	sadd.s32 $0x200, s10;
	(pc) =	sbr.rel @p1 .LBB2_8-.Ltmp5, $3  }
0xd9: {  	_ =	sdelay $0x1  }
0xda: {  	s11 =	sshra.s32 s11, $0x2  }
0xdb: {  	s13 =	sadd.s32 $0x6400, s11  }
0xdc: {  	[tilespmem:s13], [sflag:$0x1] =	stream.indirect.gather [hbm4b:s3+s0], $0x1, s11, s0, $0xb8;
	[tilespmem:$0xED80] =	vst v63  }
0xdd: {  	_ =	swait.ge [sflag:s7], $0x3200  }
0xde: {  	s10 =	simm.s32 $0x0;
	[sflag:s7] =	ssyncset.done $0x0  }
0xdf: {  	s10 =	sand.u32 $0xFF0, s10;
	[sflag:s7] =	ssyncadd.s32 $0xFFFFCE00  }
0xe0: {  	v0 =	vld [tilespmem:s10+$0xAF00]  }
0xe1: {  	s11 =	simm.s32 $0x9600;
	v1 =	vld [tilespmem:s10+$0xA280]  }
0xe2: {  	v2 =	vld [tilespmem:s11+$0x0]  }
0xe3: {  	v4 =	vld [tilespmem:s10+$0xBB80];
	_ =	sdelay $0x2  }
0xe4: {  	v3 =	vshll.u32 v0, $0x15;
	v5 =	vshll.u32 v0, $0xA  }
0xe5: {  	v6 =	vshll.u32 v1, $0x15;
	v8 =	vshra.s32 v2, $0x16;
	v0 =	vshra.s32 v0, $0x16  }
0xe6: {  	v13 =	vshll.u32 v4, $0xA;
	v14 =	vshra.s32 v4, $0x16;
	v4 =	vshll.u32 v4, $0x15  }
0xe7: {  	v7 =	vshra.s32 v3, $0x15;
	v9 =	vshra.s32 v5, $0x15;
	v3 =	vshll.u32 v2, $0xA  }
0xe8: {  	v5 =	vshll.u32 v1, $0xA;
	v10 =	vshra.s32 v6, $0x15;
	v6 =	vshra.s32 v1, $0x16  }
0xe9: {  	v2 =	vshll.u32 v2, $0x15;
	v4 =	vshra.s32 v4, $0x15;
	v11 =	vshra.s32 v3, $0x15  }
0xea: {  	v12 =	vshra.s32 v5, $0x15;
	v5 =	vsub.s32 v0, v6;
	v1 =	vsub.s32 v7, v10  }
0xeb: {  	v0 =	vsub.s32 v14, v0;
	v8 =	vsub.s32 v6, v8;
	v2 =	vshra.s32 v2, $0x15  }
0xec: {  	v7 =	vsub.s32 v4, v7;
	v4 =	vshra.s32 v13, $0x15;
	v3 =	vsub.s32 v9, v12  }
0xed: {  	v13 =	vsub.s32 v10, v2;
	v2 =	vsub.s32 v12, v11;
	v14 =	vmul.u32 v8, v1  }
0xee: {  	s15 =	simm.s32 $0xC800;
	v10 =	vsub.s32 v4, v9;
	v6 =	vmul.u32 v8, v3;
	v15 =	vmul.u32 v5, v13  }
0xef: {  	s21 =	simm.s32 $0xD480;
	s17 =	simm.s32 $0x10;
	s22 =	simm.s32 $0xE110;
	v8 =	vmul.u32 v0, v1;
	v4 =	vmul.u32 v13, v3;
	v12 =	vmul.u32 v0, v3  }
0xf0: {  	s13 =	simm.s32 $0xC800;
	s14 =	simm.s32 $0xD480;
	s10 =	simm.s32 $0xE100;
	v11 =	vmul.u32 v5, v2;
	v13 =	vmul.u32 v5, v10;
	v9 =	vsub.s32 v14, v15  }
.LBB2_10:
0xf1: {  	v5 =	vmul.u32 v5, v7;
	v14 =	vmul.u32 v1, v10;
	v3 =	vmul.u32 v3, v7;
	s11 =	sadd.s32 $0x10, s11;
	s15 =	sadd.s32 $0x10, s15;
	s21 =	sadd.s32 $0x10, s21  }
0xf2: {  	p1 =	sne.s32 s17, $0xC70;
	v7 =	vcvt.s32.f32 v7;
	v10 =	vcvt.s32.f32 v10;
	s18 =	smov.u32 s17;
	s17 =	sadd.s32 $0x10, s17;
	v12 =	vsub.s32 v12, v13  }
0xf3: {  	v6 =	vsub.s32 v11, v6;
	v3 =	vsub.s32 v14, v3;
	v11 =	vcvt.s32.f32 v12  }
0xf4: {  	v5 =	vsub.s32 v5, v8;
	v8 =	vcvt.s32.f32 v9;
	v3 =	vcvt.s32.f32 v3  }
0xf5: {  	v1 =	vmul.u32 v2, v1;
	v2 =	vcvt.s32.f32 v6;
	v5 =	vcvt.s32.f32 v5  }
0xf6: {  	v0 =	vcvt.s32.f32 v0;
	v6 =	vmul.f32 v8, v8  }
0xf7: {  	v1 =	vsub.s32 v4, v1;
	v4 =	vmul.f32 v2, v2;
	v9 =	vmul.f32 v11, v11  }
0xf8: {  	v12 =	vmul.f32 v5, v8;
	v8 =	vmul.f32 v8, v10  }
0xf9: {  	v1 =	vcvt.s32.f32 v1;
	v5 =	vmul.f32 v5, v5  }
0xfa: {  	v10 =	vmul.f32 v11, v2;
	v2 =	vmul.f32 v2, v7;
	v4 =	vadd.f32 v6, v4  }
0xfb: {  	v7 =	vmul.f32 v3, v3;
	v6 =	vmul.f32 v1, v1;
	v5 =	vadd.f32 v5, v9  }
0xfc: {  	v3 =	vmul.f32 v3, v1;
	v0 =	vmul.f32 v1, v0;
	v9 =	vadd.f32 v12, v10  }
0xfd: {  	v1 =	vadd.f32 v4, v6;
	v4 =	vadd.f32 v5, v7  }
0xfe: {  	s18 =	sand.u32 $0xFF0, s18;
	v2 =	vadd.f32 v8, v2;
	v3 =	vadd.f32 v9, v3  }
0xff: {  	v1 =	vmul.f32 v4, v1  }
0x100: {  	v0 =	vadd.f32 v2, v0;
	[tilespmem:s13+$0x0] =	vst v3;
	s13 =	smov.u32 s15  }
0x101: {  	[tilespmem:s14+$0x0] =	vst v1;
	s14 =	smov.u32 s21  }
0x102: {  	[tilespmem:s10+$0x0] =	vst v0;
	s10 =	smov.u32 s22  }
0x103: {  	v0 =	vld [tilespmem:s18+$0xAF00]  }
0x104: {  	v1 =	vld [tilespmem:s18+$0xA280]  }
0x105: {  	v2 =	vld [tilespmem:s11+$0x0]  }
0x106: {  	v4 =	vld [tilespmem:s18+$0xBB80];
	_ =	sdelay $0x1  }
0x107: {  	v3 =	vshll.u32 v0, $0x15;
	v5 =	vshll.u32 v0, $0xA  }
0x108: {  	v6 =	vshll.u32 v1, $0x15;
	v7 =	vshra.s32 v3, $0x15;
	v9 =	vshra.s32 v5, $0x15  }
0x109: {  	v5 =	vshll.u32 v1, $0xA;
	v3 =	vshll.u32 v2, $0xA;
	v8 =	vshra.s32 v2, $0x16  }
0x10a: {  	v0 =	vshra.s32 v0, $0x16;
	v10 =	vshra.s32 v6, $0x15;
	v6 =	vshra.s32 v1, $0x16  }
0x10b: {  	v12 =	vshra.s32 v5, $0x15;
	v11 =	vshra.s32 v3, $0x15;
	v13 =	vshll.u32 v4, $0xA  }
0x10c: {  	v14 =	vshra.s32 v4, $0x16;
	v3 =	vsub.s32 v9, v12;
	v5 =	vsub.s32 v0, v6  }
0x10d: {  	v4 =	vshll.u32 v4, $0x15;
	v1 =	vsub.s32 v7, v10;
	v0 =	vsub.s32 v14, v0  }
0x10e: {  	v2 =	vshll.u32 v2, $0x15;
	v8 =	vsub.s32 v6, v8;
	v4 =	vshra.s32 v4, $0x15  }
.Ltmp6:
0x10f: {  	v2 =	vshra.s32 v2, $0x15;
	v6 =	vmul.u32 v8, v3;
	v7 =	vsub.s32 v4, v7;
	(pc) =	sbr.rel @p1 .LBB2_10-.Ltmp6, $4  }
0x110: {  	v4 =	vshra.s32 v13, $0x15;
	v13 =	vsub.s32 v10, v2;
	v2 =	vsub.s32 v12, v11  }
0x111: {  	v14 =	vmul.u32 v8, v1;
	v8 =	vmul.u32 v0, v1;
	v15 =	vmul.u32 v5, v13  }
0x112: {  	v12 =	vmul.u32 v0, v3;
	v10 =	vsub.s32 v4, v9;
	v4 =	vmul.u32 v13, v3  }
0x113: {  	s22 =	sadd.s32 $0x10, s22;
	v11 =	vmul.u32 v5, v2;
	v13 =	vmul.u32 v5, v10;
	v9 =	vsub.s32 v14, v15  }
0x114: {  	v5 =	vmul.u32 v5, v7;
	v14 =	vmul.u32 v1, v10;
	v49 =	vcvt.s32.f32 v7  }
0x115: {  	v3 =	vmul.u32 v3, v7;
	v50 =	vcvt.s32.f32 v10;
	v9 =	vcvt.s32.f32 v9  }
0x116: {  	v52 =	vmul.u32 v2, v1;
	v0 =	vcvt.s32.f32 v0;
	v12 =	vsub.s32 v12, v13  }
0x117: {  	v6 =	vsub.s32 v11, v6;
	v3 =	vsub.s32 v14, v3;
	v51 =	vcvt.s32.f32 v12  }
0x118: {  	v5 =	vsub.s32 v5, v8;
	v6 =	vcvt.s32.f32 v6;
	v54 =	vmul.f32 v9, v9  }
0x119: {  	v1 =	vsub.s32 v4, v52;
	v3 =	vcvt.s32.f32 v3;
	v53 =	vcvt.s32.f32 v5  }
0x11a: {  	v1 =	vcvt.s32.f32 v1;
	v55 =	vmul.f32 v6, v6  }
0x11b: {  	v56 =	vmul.f32 v51, v51;
	v58 =	vmul.f32 v51, v6  }
0x11c: {  	v6 =	vmul.f32 v6, v49;
	v2 =	vmul.f32 v53, v53  }
0x11d: {  	v57 =	vmul.f32 v53, v9;
	v59 =	vmul.f32 v1, v1  }
0x11e: {  	v60 =	vmul.f32 v3, v3;
	v5 =	vadd.f32 v54, v55;
	v2 =	vadd.f32 v2, v56  }
0x11f: {  	v9 =	vmul.f32 v9, v50;
	v3 =	vmul.f32 v3, v1;
	v61 =	vadd.f32 v57, v58  }
0x120: {  	v5 =	vadd.f32 v5, v59;
	v2 =	vadd.f32 v2, v60  }
0x121: {  	v0 =	vmul.f32 v1, v0;
	v63 =	vadd.f32 v9, v6;
	v62 =	vadd.f32 v61, v3  }
0x122: {  	v2 =	vmul.f32 v2, v5  }
0x123: {  	v0 =	vadd.f32 v63, v0;
	[tilespmem:s13+$0x0] =	vst v62  }
0x124: {  	[tilespmem:s14+$0x0] =	vst v2  }
0x125: {  	s18 =	rddreg [dreg:$0x8];
	[tilespmem:s10+$0x0] =	vst v0  }
0x126: {  	[hbm4b:s18+s2] =	stream.linear.scatter [tilespmem:s16], [sflag:$0x3], $0xC80, $0x38;
	[tilespmem:$0xED80] =	vst v63  }
0x127: {  	_ =	swait.ge [sflag:s20], $0xC80  }
0x128: {  	[sflag:s20] =	ssyncset.done $0x0  }
0x129: {  	s21 =	rddreg [dreg:$0x9];
	[sflag:s20] =	ssyncadd.s32 $0xFFFFF380  }
0x12a: {  	[hbm4b:s21+s2] =	stream.linear.scatter [tilespmem:s5], [sflag:$0x3], $0xC80, $0x38;
	[tilespmem:$0xED80] =	vst v63  }
0x12b: {  	_ =	swait.ge [sflag:s20], $0xC80  }
0x12c: {  	[sflag:s20] =	ssyncset.done $0x0  }
.Ltmp7:
0x12d: {  	s22 =	rddreg [dreg:$0xa];
	[sflag:s20] =	ssyncadd.s32 $0xFFFFF380;
	(pc) =	sbr.rel @p0 .LBB2_15-.Ltmp7, $4  }
0x12e: {  	[hbm4b:s22+s2] =	stream.linear.scatter [tilespmem:s6], [sflag:$0x3], $0xC80, $0x38;
	[tilespmem:$0xED80] =	vst v63  }
0x12f: {  	_ =	swait.ge [sflag:s20], $0xC80  }
0x130: {  	[sflag:s20] =	ssyncset.done $0x0  }
0x131: {  	[sflag:s20] =	ssyncadd.s32 $0xFFFFF380  }
0x132: {  	s10 =	simm.s32 $0x0;
	s11 =	rddreg [dreg:$0xb];
	s13 =	simm.s32 $0x3200  }
0x133: {  	[tilespmem:s13], [sflag:$0x3] =	stream.linear.gather [hbm4b:s11+s10], $0xC80, $0x38;
	[tilespmem:$0xED80] =	vst v63  }
0x134: {  	_ =	swait.ge [sflag:s20], $0xC80  }
0x135: {  	[sflag:s20] =	ssyncset.done $0x0  }
0x136: {  	s15 =	simm.s32 $0x3E80;
	s14 =	rddreg [dreg:$0x11];
	[sflag:s20] =	ssyncadd.s32 $0xFFFFF380  }
0x137: {  	[tilespmem:s15], [sflag:$0x3] =	stream.linear.gather [hbm4b:s14+s10], $0xC80, $0x38;
	[tilespmem:$0xED80] =	vst v63  }
0x138: {  	_ =	swait.ge [sflag:s20], $0xC80  }
0x139: {  	[sflag:s20] =	ssyncset.done $0x0  }
0x13a: {  	s18 =	simm.s32 $0x4B00;
	s17 =	rddreg [dreg:$0x12];
	[sflag:s20] =	ssyncadd.s32 $0xFFFFF380  }
0x13b: {  	[tilespmem:s18], [sflag:$0x3] =	stream.linear.gather [hbm4b:s17+s10], $0xC80, $0x38;
	[tilespmem:$0xED80] =	vst v63  }
0x13c: {  	_ =	swait.ge [sflag:s20], $0xC80  }
0x13d: {  	[sflag:s20] =	ssyncset.done $0x0  }
0x13e: {  	s22 =	simm.s32 $0x5780;
	s21 =	rddreg [dreg:$0x13];
	[sflag:s20] =	ssyncadd.s32 $0xFFFFF380  }
0x13f: {  	[tilespmem:s22], [sflag:$0x3] =	stream.linear.gather [hbm4b:s21+s10], $0xC80, $0x38;
	[tilespmem:$0xED80] =	vst v63  }
0x140: {  	_ =	swait.ge [sflag:s20], $0xC80  }
0x141: {  	s11 =	simm.s32 $0x9600;
	[sflag:s20] =	ssyncset.done $0x0  }
0x142: {  	s13 =	simm.s32 $0x3200;
	s10 =	simm.s32 $0x200;
	[sflag:s20] =	ssyncadd.s32 $0xFFFFF380  }
.LBB2_13:
0x143: {  	[tilespmem:s11], [sflag:$0x2] =	stream.indirect.gather [hbm4b:s3+s0], $0x1, s13, s0, $0xb8;
	[tilespmem:$0xED80] =	vst v63  }
0x144: {  	s11 =	smov.u32 s10;
	p1 =	sne.s32 s10, $0xC600  }
.Ltmp8:
0x145: {  	s10 =	sadd.s32 $0x200, s10;
	(pc) =	sbr.rel @p1 .LBB2_13-.Ltmp8, $3  }
0x146: {  	_ =	sdelay $0x1  }
0x147: {  	s13 =	sshra.s32 s11, $0x2  }
0x148: {  	s11 =	sadd.s32 $0x9600, s13;
	s13 =	sadd.s32 $0x3200, s13  }
0x149: {  	[tilespmem:s11], [sflag:$0x2] =	stream.indirect.gather [hbm4b:s3+s0], $0x1, s13, s0, $0xb8;
	[tilespmem:$0xED80] =	vst v63  }
.LBB2_15:
0x14a: {  	_ =	swait.ge [sflag:s1], $0x3200  }
0x14b: {  	s10 =	simm.s32 $0x0;
	[sflag:s1] =	ssyncset.done $0x0  }
0x14c: {  	s10 =	sand.u32 $0xFF0, s10;
	[sflag:s1] =	ssyncadd.s32 $0xFFFFCE00  }
0x14d: {  	v0 =	vld [tilespmem:s10+$0x7D00]  }
0x14e: {  	s11 =	simm.s32 $0x6400;
	v1 =	vld [tilespmem:s10+$0x7080]  }
0x14f: {  	v2 =	vld [tilespmem:s11+$0x0]  }
0x150: {  	v4 =	vld [tilespmem:s10+$0x8980];
	_ =	sdelay $0x2  }
0x151: {  	v3 =	vshll.u32 v0, $0x15;
	v5 =	vshll.u32 v0, $0xA  }
0x152: {  	v6 =	vshll.u32 v1, $0x15;
	v8 =	vshra.s32 v2, $0x16;
	v0 =	vshra.s32 v0, $0x16  }
0x153: {  	v13 =	vshll.u32 v4, $0xA;
	v14 =	vshra.s32 v4, $0x16;
	v4 =	vshll.u32 v4, $0x15  }
0x154: {  	v7 =	vshra.s32 v3, $0x15;
	v9 =	vshra.s32 v5, $0x15;
	v3 =	vshll.u32 v2, $0xA  }
0x155: {  	v5 =	vshll.u32 v1, $0xA;
	v10 =	vshra.s32 v6, $0x15;
	v6 =	vshra.s32 v1, $0x16  }
0x156: {  	v2 =	vshll.u32 v2, $0x15;
	v4 =	vshra.s32 v4, $0x15;
	v11 =	vshra.s32 v3, $0x15  }
0x157: {  	v12 =	vshra.s32 v5, $0x15;
	v5 =	vsub.s32 v0, v6;
	v1 =	vsub.s32 v7, v10  }
0x158: {  	v0 =	vsub.s32 v14, v0;
	v8 =	vsub.s32 v6, v8;
	v2 =	vshra.s32 v2, $0x15  }
0x159: {  	v7 =	vsub.s32 v4, v7;
	v4 =	vshra.s32 v13, $0x15;
	v3 =	vsub.s32 v9, v12  }
0x15a: {  	v13 =	vsub.s32 v10, v2;
	v2 =	vsub.s32 v12, v11;
	v14 =	vmul.u32 v8, v1  }
0x15b: {  	s15 =	simm.s32 $0xC800;
	v10 =	vsub.s32 v4, v9;
	v6 =	vmul.u32 v8, v3;
	v15 =	vmul.u32 v5, v13  }
0x15c: {  	s21 =	simm.s32 $0xD480;
	s17 =	simm.s32 $0x10;
	s22 =	simm.s32 $0xE110;
	v8 =	vmul.u32 v0, v1;
	v4 =	vmul.u32 v13, v3;
	v12 =	vmul.u32 v0, v3  }
0x15d: {  	s13 =	simm.s32 $0xC800;
	s14 =	simm.s32 $0xD480;
	s10 =	simm.s32 $0xE100;
	v11 =	vmul.u32 v5, v2;
	v13 =	vmul.u32 v5, v10;
	v9 =	vsub.s32 v14, v15  }
.LBB2_16:
0x15e: {  	v5 =	vmul.u32 v5, v7;
	v14 =	vmul.u32 v1, v10;
	v3 =	vmul.u32 v3, v7;
	s11 =	sadd.s32 $0x10, s11;
	s15 =	sadd.s32 $0x10, s15;
	s21 =	sadd.s32 $0x10, s21  }
0x15f: {  	p1 =	sne.s32 s17, $0xC70;
	v7 =	vcvt.s32.f32 v7;
	v10 =	vcvt.s32.f32 v10;
	s18 =	smov.u32 s17;
	s17 =	sadd.s32 $0x10, s17;
	v12 =	vsub.s32 v12, v13  }
0x160: {  	v6 =	vsub.s32 v11, v6;
	v3 =	vsub.s32 v14, v3;
	v11 =	vcvt.s32.f32 v12  }
0x161: {  	v5 =	vsub.s32 v5, v8;
	v8 =	vcvt.s32.f32 v9;
	v3 =	vcvt.s32.f32 v3  }
0x162: {  	v1 =	vmul.u32 v2, v1;
	v2 =	vcvt.s32.f32 v6;
	v5 =	vcvt.s32.f32 v5  }
0x163: {  	v0 =	vcvt.s32.f32 v0;
	v6 =	vmul.f32 v8, v8  }
0x164: {  	v1 =	vsub.s32 v4, v1;
	v4 =	vmul.f32 v2, v2;
	v9 =	vmul.f32 v11, v11  }
0x165: {  	v12 =	vmul.f32 v5, v8;
	v8 =	vmul.f32 v8, v10  }
0x166: {  	v1 =	vcvt.s32.f32 v1;
	v5 =	vmul.f32 v5, v5  }
0x167: {  	v10 =	vmul.f32 v11, v2;
	v2 =	vmul.f32 v2, v7;
	v4 =	vadd.f32 v6, v4  }
0x168: {  	v7 =	vmul.f32 v3, v3;
	v6 =	vmul.f32 v1, v1;
	v5 =	vadd.f32 v5, v9  }
0x169: {  	v3 =	vmul.f32 v3, v1;
	v0 =	vmul.f32 v1, v0;
	v9 =	vadd.f32 v12, v10  }
0x16a: {  	v1 =	vadd.f32 v4, v6;
	v4 =	vadd.f32 v5, v7  }
0x16b: {  	s18 =	sand.u32 $0xFF0, s18;
	v2 =	vadd.f32 v8, v2;
	v3 =	vadd.f32 v9, v3  }
0x16c: {  	v1 =	vmul.f32 v4, v1  }
0x16d: {  	v0 =	vadd.f32 v2, v0;
	[tilespmem:s13+$0x0] =	vst v3;
	s13 =	smov.u32 s15  }
0x16e: {  	[tilespmem:s14+$0x0] =	vst v1;
	s14 =	smov.u32 s21  }
0x16f: {  	[tilespmem:s10+$0x0] =	vst v0;
	s10 =	smov.u32 s22  }
0x170: {  	v0 =	vld [tilespmem:s18+$0x7D00]  }
0x171: {  	v1 =	vld [tilespmem:s18+$0x7080]  }
0x172: {  	v2 =	vld [tilespmem:s11+$0x0]  }
0x173: {  	v4 =	vld [tilespmem:s18+$0x8980];
	_ =	sdelay $0x1  }
0x174: {  	v3 =	vshll.u32 v0, $0x15;
	v5 =	vshll.u32 v0, $0xA  }
0x175: {  	v6 =	vshll.u32 v1, $0x15;
	v7 =	vshra.s32 v3, $0x15;
	v9 =	vshra.s32 v5, $0x15  }
0x176: {  	v5 =	vshll.u32 v1, $0xA;
	v3 =	vshll.u32 v2, $0xA;
	v8 =	vshra.s32 v2, $0x16  }
0x177: {  	v0 =	vshra.s32 v0, $0x16;
	v10 =	vshra.s32 v6, $0x15;
	v6 =	vshra.s32 v1, $0x16  }
0x178: {  	v12 =	vshra.s32 v5, $0x15;
	v11 =	vshra.s32 v3, $0x15;
	v13 =	vshll.u32 v4, $0xA  }
0x179: {  	v14 =	vshra.s32 v4, $0x16;
	v3 =	vsub.s32 v9, v12;
	v5 =	vsub.s32 v0, v6  }
0x17a: {  	v4 =	vshll.u32 v4, $0x15;
	v1 =	vsub.s32 v7, v10;
	v0 =	vsub.s32 v14, v0  }
0x17b: {  	v2 =	vshll.u32 v2, $0x15;
	v8 =	vsub.s32 v6, v8;
	v4 =	vshra.s32 v4, $0x15  }
.Ltmp9:
0x17c: {  	v2 =	vshra.s32 v2, $0x15;
	v6 =	vmul.u32 v8, v3;
	v7 =	vsub.s32 v4, v7;
	(pc) =	sbr.rel @p1 .LBB2_16-.Ltmp9, $4  }
0x17d: {  	v4 =	vshra.s32 v13, $0x15;
	v13 =	vsub.s32 v10, v2;
	v2 =	vsub.s32 v12, v11  }
0x17e: {  	v14 =	vmul.u32 v8, v1;
	v8 =	vmul.u32 v0, v1;
	v15 =	vmul.u32 v5, v13  }
0x17f: {  	v12 =	vmul.u32 v0, v3;
	v10 =	vsub.s32 v4, v9;
	v4 =	vmul.u32 v13, v3  }
0x180: {  	s22 =	sadd.s32 $0x10, s22;
	v11 =	vmul.u32 v5, v2;
	v13 =	vmul.u32 v5, v10;
	v9 =	vsub.s32 v14, v15  }
0x181: {  	v5 =	vmul.u32 v5, v7;
	v14 =	vmul.u32 v1, v10;
	v49 =	vcvt.s32.f32 v7  }
0x182: {  	v3 =	vmul.u32 v3, v7;
	v50 =	vcvt.s32.f32 v10;
	v9 =	vcvt.s32.f32 v9  }
0x183: {  	v52 =	vmul.u32 v2, v1;
	v0 =	vcvt.s32.f32 v0;
	v12 =	vsub.s32 v12, v13  }
0x184: {  	v6 =	vsub.s32 v11, v6;
	v3 =	vsub.s32 v14, v3;
	v51 =	vcvt.s32.f32 v12  }
0x185: {  	v5 =	vsub.s32 v5, v8;
	v6 =	vcvt.s32.f32 v6;
	v54 =	vmul.f32 v9, v9  }
0x186: {  	v1 =	vsub.s32 v4, v52;
	v3 =	vcvt.s32.f32 v3;
	v53 =	vcvt.s32.f32 v5  }
0x187: {  	v1 =	vcvt.s32.f32 v1;
	v55 =	vmul.f32 v6, v6  }
0x188: {  	v56 =	vmul.f32 v51, v51;
	v58 =	vmul.f32 v51, v6  }
0x189: {  	v6 =	vmul.f32 v6, v49;
	v2 =	vmul.f32 v53, v53  }
0x18a: {  	v57 =	vmul.f32 v53, v9;
	v59 =	vmul.f32 v1, v1  }
0x18b: {  	v60 =	vmul.f32 v3, v3;
	v5 =	vadd.f32 v54, v55;
	v2 =	vadd.f32 v2, v56  }
0x18c: {  	v9 =	vmul.f32 v9, v50;
	v3 =	vmul.f32 v3, v1;
	v61 =	vadd.f32 v57, v58  }
0x18d: {  	v5 =	vadd.f32 v5, v59;
	v2 =	vadd.f32 v2, v60  }
0x18e: {  	v0 =	vmul.f32 v1, v0;
	v63 =	vadd.f32 v9, v6;
	v62 =	vadd.f32 v61, v3  }
0x18f: {  	v2 =	vmul.f32 v2, v5  }
0x190: {  	v0 =	vadd.f32 v63, v0;
	[tilespmem:s13+$0x0] =	vst v62  }
0x191: {  	[tilespmem:s14+$0x0] =	vst v2  }
0x192: {  	s21 =	rddreg [dreg:$0xc];
	[tilespmem:s10+$0x0] =	vst v0  }
0x193: {  	[hbm4b:s21+s2] =	stream.linear.scatter [tilespmem:s16], [sflag:$0x3], $0xC80, $0x38;
	[tilespmem:$0xED80] =	vst v63  }
0x194: {  	_ =	swait.ge [sflag:s20], $0xC80  }
0x195: {  	[sflag:s20] =	ssyncset.done $0x0  }
0x196: {  	s22 =	rddreg [dreg:$0xd];
	[sflag:s20] =	ssyncadd.s32 $0xFFFFF380  }
0x197: {  	[hbm4b:s22+s2] =	stream.linear.scatter [tilespmem:s5], [sflag:$0x3], $0xC80, $0x38;
	[tilespmem:$0xED80] =	vst v63  }
0x198: {  	_ =	swait.ge [sflag:s20], $0xC80  }
0x199: {  	[sflag:s20] =	ssyncset.done $0x0  }
.Ltmp10:
0x19a: {  	[sflag:s20] =	ssyncadd.s32 $0xFFFFF380;
	(pc) =	sbr.rel @p0 .LBB2_21-.Ltmp10, $4  }
0x19b: {  	[hbm4b:s19+s2] =	stream.linear.scatter [tilespmem:s6], [sflag:$0x3], $0xC80, $0x38;
	[tilespmem:$0xED80] =	vst v63  }
0x19c: {  	_ =	swait.ge [sflag:s20], $0xC80  }
0x19d: {  	[sflag:s20] =	ssyncset.done $0x0  }
0x19e: {  	[sflag:s20] =	ssyncadd.s32 $0xFFFFF380  }
0x19f: {  	_ =	swait.ge [sflag:s7], $0x3200  }
0x1a0: {  	s10 =	simm.s32 $0x0;
	[sflag:s7] =	ssyncset.done $0x0  }
0x1a1: {  	s10 =	sand.u32 $0xFF0, s10;
	[sflag:s7] =	ssyncadd.s32 $0xFFFFCE00  }
0x1a2: {  	v0 =	vld [tilespmem:s10+$0xAF00]  }
0x1a3: {  	s11 =	simm.s32 $0x9600;
	v1 =	vld [tilespmem:s10+$0xA280]  }
0x1a4: {  	v2 =	vld [tilespmem:s11+$0x0]  }
0x1a5: {  	v4 =	vld [tilespmem:s10+$0xBB80];
	_ =	sdelay $0x2  }
0x1a6: {  	v3 =	vshll.u32 v0, $0x15;
	v5 =	vshll.u32 v0, $0xA  }
0x1a7: {  	v6 =	vshll.u32 v1, $0x15;
	v8 =	vshra.s32 v2, $0x16;
	v0 =	vshra.s32 v0, $0x16  }
0x1a8: {  	v13 =	vshll.u32 v4, $0xA;
	v14 =	vshra.s32 v4, $0x16;
	v4 =	vshll.u32 v4, $0x15  }
0x1a9: {  	v7 =	vshra.s32 v3, $0x15;
	v9 =	vshra.s32 v5, $0x15;
	v3 =	vshll.u32 v2, $0xA  }
0x1aa: {  	v5 =	vshll.u32 v1, $0xA;
	v10 =	vshra.s32 v6, $0x15;
	v6 =	vshra.s32 v1, $0x16  }
0x1ab: {  	v2 =	vshll.u32 v2, $0x15;
	v4 =	vshra.s32 v4, $0x15;
	v11 =	vshra.s32 v3, $0x15  }
0x1ac: {  	v12 =	vshra.s32 v5, $0x15;
	v5 =	vsub.s32 v0, v6;
	v1 =	vsub.s32 v7, v10  }
0x1ad: {  	v0 =	vsub.s32 v14, v0;
	v8 =	vsub.s32 v6, v8;
	v2 =	vshra.s32 v2, $0x15  }
0x1ae: {  	v7 =	vsub.s32 v4, v7;
	v4 =	vshra.s32 v13, $0x15;
	v3 =	vsub.s32 v9, v12  }
0x1af: {  	v13 =	vsub.s32 v10, v2;
	v2 =	vsub.s32 v12, v11;
	v14 =	vmul.u32 v8, v1  }
0x1b0: {  	s15 =	simm.s32 $0xC800;
	v10 =	vsub.s32 v4, v9;
	v6 =	vmul.u32 v8, v3;
	v15 =	vmul.u32 v5, v13  }
0x1b1: {  	s21 =	simm.s32 $0xD480;
	s17 =	simm.s32 $0x10;
	s22 =	simm.s32 $0xE110;
	v8 =	vmul.u32 v0, v1;
	v4 =	vmul.u32 v13, v3;
	v12 =	vmul.u32 v0, v3  }
0x1b2: {  	s13 =	simm.s32 $0xC800;
	s14 =	simm.s32 $0xD480;
	s10 =	simm.s32 $0xE100;
	v11 =	vmul.u32 v5, v2;
	v13 =	vmul.u32 v5, v10;
	v9 =	vsub.s32 v14, v15  }
.LBB2_19:
0x1b3: {  	v5 =	vmul.u32 v5, v7;
	v14 =	vmul.u32 v1, v10;
	v3 =	vmul.u32 v3, v7;
	s11 =	sadd.s32 $0x10, s11;
	s15 =	sadd.s32 $0x10, s15;
	s21 =	sadd.s32 $0x10, s21  }
0x1b4: {  	p1 =	sne.s32 s17, $0xC70;
	v12 =	vsub.s32 v12, v13;
	v7 =	vcvt.s32.f32 v7;
	v10 =	vcvt.s32.f32 v10;
	s18 =	smov.u32 s17;
	s17 =	sadd.s32 $0x10, s17  }
0x1b5: {  	v6 =	vsub.s32 v11, v6;
	v11 =	vcvt.s32.f32 v12;
	v3 =	vsub.s32 v14, v3  }
0x1b6: {  	v5 =	vsub.s32 v5, v8;
	v8 =	vcvt.s32.f32 v9;
	v3 =	vcvt.s32.f32 v3  }
0x1b7: {  	v1 =	vmul.u32 v2, v1;
	v2 =	vcvt.s32.f32 v6;
	v5 =	vcvt.s32.f32 v5  }
0x1b8: {  	v0 =	vcvt.s32.f32 v0;
	v6 =	vmul.f32 v8, v8  }
0x1b9: {  	v1 =	vsub.s32 v4, v1;
	v4 =	vmul.f32 v2, v2;
	v9 =	vmul.f32 v11, v11  }
0x1ba: {  	v12 =	vmul.f32 v5, v8;
	v8 =	vmul.f32 v8, v10  }
0x1bb: {  	v1 =	vcvt.s32.f32 v1;
	v5 =	vmul.f32 v5, v5  }
0x1bc: {  	v10 =	vmul.f32 v11, v2;
	v2 =	vmul.f32 v2, v7;
	v4 =	vadd.f32 v6, v4  }
0x1bd: {  	v7 =	vmul.f32 v3, v3;
	v6 =	vmul.f32 v1, v1;
	v5 =	vadd.f32 v5, v9  }
0x1be: {  	v3 =	vmul.f32 v3, v1;
	v0 =	vmul.f32 v1, v0;
	v9 =	vadd.f32 v12, v10  }
0x1bf: {  	v1 =	vadd.f32 v4, v6;
	v4 =	vadd.f32 v5, v7  }
0x1c0: {  	s18 =	sand.u32 $0xFF0, s18;
	v2 =	vadd.f32 v8, v2;
	v3 =	vadd.f32 v9, v3  }
0x1c1: {  	v1 =	vmul.f32 v4, v1  }
0x1c2: {  	v0 =	vadd.f32 v2, v0;
	[tilespmem:s13+$0x0] =	vst v3;
	s13 =	smov.u32 s15  }
0x1c3: {  	[tilespmem:s14+$0x0] =	vst v1;
	s14 =	smov.u32 s21  }
0x1c4: {  	[tilespmem:s10+$0x0] =	vst v0;
	s10 =	smov.u32 s22  }
0x1c5: {  	v0 =	vld [tilespmem:s18+$0xAF00]  }
0x1c6: {  	v1 =	vld [tilespmem:s18+$0xA280]  }
0x1c7: {  	v2 =	vld [tilespmem:s11+$0x0]  }
0x1c8: {  	v4 =	vld [tilespmem:s18+$0xBB80];
	_ =	sdelay $0x1  }
0x1c9: {  	v3 =	vshll.u32 v0, $0x15;
	v5 =	vshll.u32 v0, $0xA  }
0x1ca: {  	v6 =	vshll.u32 v1, $0x15;
	v7 =	vshra.s32 v3, $0x15;
	v9 =	vshra.s32 v5, $0x15  }
0x1cb: {  	v5 =	vshll.u32 v1, $0xA;
	v3 =	vshll.u32 v2, $0xA;
	v8 =	vshra.s32 v2, $0x16  }
0x1cc: {  	v0 =	vshra.s32 v0, $0x16;
	v10 =	vshra.s32 v6, $0x15;
	v6 =	vshra.s32 v1, $0x16  }
0x1cd: {  	v12 =	vshra.s32 v5, $0x15;
	v11 =	vshra.s32 v3, $0x15;
	v13 =	vshll.u32 v4, $0xA  }
0x1ce: {  	v14 =	vshra.s32 v4, $0x16;
	v3 =	vsub.s32 v9, v12;
	v5 =	vsub.s32 v0, v6  }
0x1cf: {  	v4 =	vshll.u32 v4, $0x15;
	v1 =	vsub.s32 v7, v10;
	v0 =	vsub.s32 v14, v0  }
0x1d0: {  	v2 =	vshll.u32 v2, $0x15;
	v8 =	vsub.s32 v6, v8;
	v4 =	vshra.s32 v4, $0x15  }
.Ltmp11:
0x1d1: {  	v2 =	vshra.s32 v2, $0x15;
	v6 =	vmul.u32 v8, v3;
	v7 =	vsub.s32 v4, v7;
	(pc) =	sbr.rel @p1 .LBB2_19-.Ltmp11, $4  }
0x1d2: {  	v4 =	vshra.s32 v13, $0x15;
	v13 =	vsub.s32 v10, v2;
	v2 =	vsub.s32 v12, v11  }
0x1d3: {  	v14 =	vmul.u32 v8, v1;
	v8 =	vmul.u32 v0, v1;
	v15 =	vmul.u32 v5, v13  }
0x1d4: {  	v12 =	vmul.u32 v0, v3;
	v10 =	vsub.s32 v4, v9;
	v4 =	vmul.u32 v13, v3  }
0x1d5: {  	s22 =	sadd.s32 $0x10, s22;
	v11 =	vmul.u32 v5, v2;
	v13 =	vmul.u32 v5, v10;
	v9 =	vsub.s32 v14, v15  }
.Ltmp12:
0x1d6: {  	_ = 	snop;
	(pc) =	sbr.rel .LBB2_20-.Ltmp12, $1  }
0x1d7: {  	_ =	sdelay $0x3  }
.LBB2_22:
0x1d8: {  	_ =	sfence.sel $0x180000  }
0x1d9: {  	[bflag:$0x0] =	sbarrier.arrive $0xFFFF  }
0x1da: {  	_ =	strace $0x90000047  }
0x1db: {  	s0 =	stileid.u32;
	[bflag:$0x2] =	sbarrier.arrive $0xFFFF  }
0x1dc: {  	p0 =	sne.s32 s0, $0x0;
	s0 =	rddreg [dreg:$0x1]  }
0x1dd: {  	s0 =	sadd.s32 @!p0 $0x100000, s0  }
0x1de: {  	[sflag:s0] =	ssyncadd.tile.s32 @!p0 $0x1;
	_ =	shalt  }
.Lfunc_end2:
_tile_overlayer_lowered:
.L_overlay_start_2:
0x1df: {  	(tag) =	ssettag $0x2  }
0x1e0: {  	s0 =	rddreg [dreg:$0x0];
	s2 =	stileid.u32  }
0x1e1: {  	s1 =	rddreg [dreg:$0x1];
	p0 =	sne.s32 s2, $0x0  }
0x1e2: {  	s3 =	rddreg [dreg:$0x2];
	[bflag:$0x3] =	sbarrier.arrive $0xFFFF;
	s2 =	simm.s32 @!p0 $0x1C03  }
0x1e3: {  	[timem:s3], [sflag:s2] =	dma.local @!p0 [hbm:s0], s1  }
0x1e4: {  	s0 =	simm.s32 @!p0 $0x3  }
0x1e5: {  	_ =	swait.ge @!p0 [sflag:s0], s1  }
0x1e6: {  	s1 =	ssub.s32 @!p0 $0x0, s1;
	[sflag:s0] =	ssyncset.done @!p0 $0x0  }
0x1e7: {  	[sflag:s0] =	ssyncadd.s32 @!p0 s1  }
0x1e8: {  	[bflag:$0x3] =	sbarrier.arrive $0xFFFF  }
0x1e9: {  	_ =	shalt  }

</sc_bundles>
